<compile_context>
chip_gen: v7x
topology: tpu7x:2x2x1
jax: 0.10.2.dev20260603
libtpu: 0.0.44.dev20260713+nightly
codegen_flags: <defaults>
</compile_context>

<pallas_src>
import functools

import jax
import jax.numpy as jnp
from jax import lax
from jax.experimental import pallas as pl
from jax.experimental.pallas import tpu as pltpu
from jax.experimental.pallas import tpu_sc as plsc

_B, _P, _T = 8, 16384, 256
_KNN = 819
_STEP = 4
_K2 = 205
_DT = 64
_TBLK = 32


_PR = 128
_PC = 128


def _fps_body(pos_ref, out_ref):
    x = pos_ref[:, 0]
    y = pos_ref[:, 1]
    z = pos_ref[:, 2]
    iota = (jax.lax.broadcasted_iota(jnp.int32, (_B, _PR, _PC), 1) * _PC
            + jax.lax.broadcasted_iota(jnp.int32, (_B, _PR, _PC), 2))

    def _red2(v, op):
        return op(op(v, axis=2, keepdims=True), axis=1, keepdims=True)

    def body(i, state):
        dists, farr = state
        out_ref[pl.ds(i, 1), :] = farr.reshape(1, _B)
        sel = iota == farr[:, None, None]
        cx = _red2(jnp.where(sel, x, 0.0), jnp.sum)
        cy = _red2(jnp.where(sel, y, 0.0), jnp.sum)
        cz = _red2(jnp.where(sel, z, 0.0), jnp.sum)
        dx = x - cx
        dy = y - cy
        dz = z - cz
        d = (dx * dx + dy * dy) + dz * dz
        dists = jnp.minimum(dists, d)
        m = _red2(dists, jnp.max)
        idxm = _red2(jnp.where(dists == m, iota, _P), jnp.min)
        return dists, idxm[:, 0, 0]

    state = (jnp.full((_B, _PR, _PC), 1e10, jnp.float32),
             jnp.zeros((_B,), jnp.int32))
    jax.lax.fori_loop(0, _T, body, state)


def _fps(pos, K):
    posR = pos.transpose(0, 2, 1).reshape(_B, 3, _PR, _PC)
    out = pl.pallas_call(
        _fps_body,
        in_specs=[pl.BlockSpec((_B, 3, _PR, _PC), lambda: (0, 0, 0, 0))],
        out_specs=pl.BlockSpec((_T, _B), lambda: (0, 0)),
        out_shape=jax.ShapeDtypeStruct((_T, _B), jnp.int32),
    )(posR)
    return out.T


_NW = 32
_GJ = 103
_GC = 128


def _sc_gather(tbl, idx3):
    mesh = plsc.VectorSubcoreMesh(core_axis_name="c", subcore_axis_name="s")

    @functools.partial(
        pl.kernel,
        out_type=jax.ShapeDtypeStruct((_NW * _GJ * _GC, 16), jnp.float32),
        mesh=mesh,
        scratch_types=[
            pltpu.VMEM((_GJ, _GC), jnp.int32),
            pltpu.VMEM((_GC, 16), jnp.float32),
            pltpu.SemaphoreType.DMA,
        ],
        compiler_params=pltpu.CompilerParams(use_tc_tiling_on_sc=False),
    )
    def gk(tbl_hbm, idx_hbm, out_hbm, idx_v, rows_v, sem):
        wid = lax.axis_index("s") * 2 + lax.axis_index("c")
        pltpu.sync_copy(idx_hbm.at[wid], idx_v)
        base = wid * (_GJ * _GC)

        def body(j, _):
            pltpu.async_copy(tbl_hbm.at[idx_v.at[j]], rows_v, sem).wait()
            pltpu.sync_copy(rows_v, out_hbm.at[pl.ds(base + j * _GC, _GC)])
            return 0

        lax.fori_loop(0, _GJ, body, 0)

    return gk(tbl, idx3)


def _gather_lps(input, nn_idx):
    tbl = jnp.pad(input.reshape(_B * _P, 6), ((0, 0), (0, 10)))
    flat = (nn_idx
            + (jnp.arange(_B, dtype=jnp.int32) * _P)[:, None, None]).reshape(-1)
    flat = jnp.pad(flat, (0, _NW * _GJ * _GC - flat.size))
    g = _sc_gather(tbl, flat.reshape(_NW, _GJ, _GC))
    return g[: _B * _T * _K2, 0:6].reshape(_B, _T, _K2, 6)


def _knn_subsampled(q, t):
    d = (jnp.sum(q * q, -1)[:, :, None]
         - 2.0 * jnp.einsum('btd,bpd->btp', q, t)
         + jnp.sum(t * t, -1)[:, None, :])
    negv, cidx = jax.lax.approx_max_k(-d, 1024, recall_target=1.0)
    _, gs = jax.lax.sort((-negv, cidx), num_keys=2)
    return gs[:, :, 0:_KNN:_STEP]


def _disambiguate(df, vecs):
    proj = jnp.einsum('btkd,btd->btk', df, vecs)
    n_pos = jnp.sum((proj > 0.0).astype(df.dtype), axis=2, keepdims=True)
    flip = (n_pos < 0.5 * df.shape[2]).astype(df.dtype)
    return (1.0 - 2.0 * flip) * vecs


_K2P = 208


def _rotmlp_body(lps_ref, ctr_ref, lrf_ref, w1_ref, b1_ref, w2_ref, b2_ref,
                 w3_ref, b3_ref, o_ref):
    x = lps_ref[0]
    ctr = ctr_ref[0]
    lrf = lrf_ref[0]
    w1 = w1_ref[...]
    h1 = jnp.zeros((_TBLK, _K2P, _DT), jnp.float32) + b1_ref[...][0][None, None, :]
    for dd in range(3):
        pr = jnp.zeros((_TBLK, _K2P), jnp.float32)
        orr = jnp.zeros((_TBLK, _K2P), jnp.float32)
        for c in range(3):
            lp = x[c] - ctr[:, c][:, None]
            lo = x[3 + c]
            ld = lrf[:, c, dd][:, None]
            pr = pr + lp * ld
            orr = orr + lo * ld
        h1 = h1 + pr[:, :, None] * w1[dd][None, None, :]
        h1 = h1 + orr[:, :, None] * w1[3 + dd][None, None, :]
    h1 = jnp.maximum(h1, 0.0).reshape(_TBLK * _K2P, _DT)
    h = jnp.maximum(jnp.dot(h1, w2_ref[...], preferred_element_type=jnp.float32)
                    + b2_ref[...], 0.0)
    h = (jnp.dot(h, w3_ref[...], preferred_element_type=jnp.float32)
         + b3_ref[...]).reshape(_TBLK, _K2P, _DT)
    mask = jax.lax.broadcasted_iota(jnp.int32, (1, _K2P, 1), 1) < _K2
    o_ref[0] = jnp.max(jnp.where(mask, h, -jnp.inf), axis=1)


def _rotmlp(lps, ctr_pos, lrfs, W1, b1, W2, b2, W3, b3):
    lpsT = jnp.pad(lps.transpose(0, 3, 1, 2),
                   ((0, 0), (0, 0), (0, 0), (0, _K2P - _K2)))
    return pl.pallas_call(
        _rotmlp_body,
        grid=(_B, _T // _TBLK),
        in_specs=[
            pl.BlockSpec((1, 6, _TBLK, _K2P), lambda b, t: (b, 0, t, 0)),
            pl.BlockSpec((1, _TBLK, 3), lambda b, t: (b, t, 0)),
            pl.BlockSpec((1, _TBLK, 3, 3), lambda b, t: (b, t, 0, 0)),
            pl.BlockSpec((6, _DT), lambda b, t: (0, 0)),
            pl.BlockSpec((1, _DT), lambda b, t: (0, 0)),
            pl.BlockSpec((_DT, _DT), lambda b, t: (0, 0)),
            pl.BlockSpec((1, _DT), lambda b, t: (0, 0)),
            pl.BlockSpec((_DT, _DT), lambda b, t: (0, 0)),
            pl.BlockSpec((1, _DT), lambda b, t: (0, 0)),
        ],
        out_specs=pl.BlockSpec((1, _TBLK, _DT), lambda b, t: (b, t, 0)),
        out_shape=jax.ShapeDtypeStruct((_B, _T, _DT), jnp.float32),
    )(lpsT, ctr_pos, lrfs, W1, b1.reshape(1, _DT), W2, b2.reshape(1, _DT),
      W3, b3.reshape(1, _DT))


def kernel(input, W1, b1, W2, b2, W3, b3):
    pos = input[..., 0:3]
    rep_idx = _fps(pos, _T)
    gidx = jnp.repeat(rep_idx[:, :, None], 3, axis=2)
    ctr_pos = jnp.take_along_axis(pos, gidx, axis=1)
    nn_idx = _knn_subsampled(ctr_pos, pos)
    lps = _gather_lps(input, nn_idx)
    lps_pos = lps[..., 0:3] - ctr_pos[:, :, None, :]
    norms = jnp.linalg.norm(lps_pos, axis=3, keepdims=True)
    max_norms = jnp.max(norms, axis=2, keepdims=True)
    w = max_norms - norms
    w = w / jnp.sum(w, axis=2, keepdims=True)
    scaled = 100.0 * lps_pos
    covs = jnp.einsum('bijk,bijl->bikl', w * scaled, scaled)
    _, evecs = jnp.linalg.eigh(covs)
    n = _disambiguate(lps_pos, evecs[:, :, :, 0])
    z = _disambiguate(lps_pos, evecs[:, :, :, 2])
    y = jnp.cross(n, z, axis=-1)
    trf = jnp.stack((n, y, z), axis=3)
    tokens = _rotmlp(lps, ctr_pos, trf, W1, b1, W2, b2, W3, b3)
    return (tokens, ctr_pos, trf)

# --- scband reference (transcript-rebuilt; emitter-appended) ---
"""Pipeline reference for scband-tokenizer-59579786330688 (READ-ONLY COPY).

The authoritative reference and input builder live on the scoring server;
editing this copy changes nothing except your own understanding.
"""

import jax, jax.numpy as jnp
import numpy as np

B, P, T = 8, 16384, 256
TOKEN_SCALE = 0.05
STEP = 4
KNN = int(TOKEN_SCALE * P)
D_TOKEN = 64
H1, H2 = 64, 64


def fps(pos, K):
    b, p, _ = pos.shape
    def body(i, state):
        idx, dists, farthest = state
        idx = idx.at[:, i].set(farthest)
        centroid = pos[jnp.arange(b), farthest][:, None, :]
        d = jnp.sum((pos - centroid) ** 2, axis=-1)
        dists = jnp.minimum(dists, d)
        farthest = jnp.argmax(dists, axis=-1).astype(jnp.int32)
        return (idx, dists, farthest)
    state = (jnp.zeros((b, K), jnp.int32), jnp.full((b, p), 1e10, pos.dtype), jnp.zeros((b,), jnp.int32))
    idx, _, _ = jax.lax.fori_loop(0, K, body, state)
    return idx


def knn_search(q, t, k):
    d = jnp.sum(q * q, -1)[:, :, None] - 2.0 * jnp.einsum('btd,bpd->btp', q, t) + jnp.sum(t * t, -1)[:, None, :]
    _, idx = jax.lax.top_k(-d, k)
    return idx


def knn_gather(t, idx):
    return jax.vmap(lambda tt, ii: tt[ii])(t, idx)


def disambiguate(df, vecs):
    proj = jnp.einsum('btkd,btd->btk', df, vecs)
    n_pos = jnp.sum((proj > 0.0).astype(df.dtype), axis=2, keepdims=True)
    flip = (n_pos < 0.5 * df.shape[2]).astype(df.dtype)
    return (1.0 - 2.0 * flip) * vecs


def compute_lrf_shot(ctr_pos, inp, nn_idx):
    lps = knn_gather(inp, nn_idx)
    lps_pos = lps[..., 0:3] - ctr_pos[:, :, None, :]
    lps_ori = lps[..., 3:6]
    norms = jnp.linalg.norm(lps_pos, axis=3, keepdims=True)
    max_norms = jnp.max(norms, axis=2, keepdims=True)
    w = max_norms - norms
    w = w / jnp.sum(w, axis=2, keepdims=True)
    scaled = 100.0 * lps_pos
    covs = jnp.einsum('bijk,bijl->bikl', w * scaled, scaled)
    _, evecs = jnp.linalg.eigh(covs)
    n = disambiguate(lps_pos, evecs[:, :, :, 0])
    z = disambiguate(lps_pos, evecs[:, :, :, 2])
    y = jnp.cross(n, z, axis=-1)
    lrfs = jnp.stack((n, y, z), axis=3)
    lps_pos_r = jnp.einsum('btkc,btcd->btkd', lps_pos, lrfs)
    lps_ori_r = jnp.einsum('btkc,btcd->btkd', lps_ori, lrfs)
    return jnp.concatenate([lps_pos_r, lps_ori_r], axis=3), lrfs


def setup_inputs(seed: int = 0):
    key = jax.random.key(seed)
    ks = jax.random.split(key, 8)
    pos = jax.random.normal(ks[0], (B, P, 3), jnp.float32)
    ori = jax.random.normal(ks[1], (B, P, 3), jnp.float32)
    ori = ori / (jnp.linalg.norm(ori, axis=-1, keepdims=True) + 1e-8)
    inp = jnp.concatenate([pos, ori], axis=-1)
    W1 = jax.random.normal(ks[2], (6, H1), jnp.float32) * 0.3
    b1 = jnp.zeros((H1,), jnp.float32)
    W2 = jax.random.normal(ks[3], (H1, H2), jnp.float32) * 0.1
    b2 = jnp.zeros((H2,), jnp.float32)
    W3 = jax.random.normal(ks[4], (H2, D_TOKEN), jnp.float32) * 0.1
    b3 = jnp.zeros((D_TOKEN,), jnp.float32)
    return {'input': inp, 'W1': W1, 'b1': b1, 'W2': W2, 'b2': b2, 'W3': W3, 'b3': b3}


def reference(input, W1, b1, W2, b2, W3, b3):
    pos = input[..., 0:3]
    rep_idx = fps(jax.lax.stop_gradient(pos), T)
    gidx = jnp.repeat(rep_idx[:, :, None], 3, axis=2)
    ctr_pos = jnp.take_along_axis(pos, gidx, axis=1)
    nn_idx = knn_search(jax.lax.stop_gradient(ctr_pos), jax.lax.stop_gradient(pos), KNN)
    nn_idx = nn_idx[:, :, ::STEP]
    tps, trf = compute_lrf_shot(ctr_pos, input, nn_idx)
    h = jax.nn.relu(tps @ W1 + b1)
    h = jax.nn.relu(h @ W2 + b2)
    h = h @ W3 + b3
    tokens = jnp.max(h, axis=2)
    return (tokens, ctr_pos, trf)

if __name__ == "__main__":
    import jax
    _d = setup_inputs()
    print(jax.jit(kernel)(*tuple(_d.values())))

</pallas_src>

<mosaic_0001>
#map = affine_map<(d0, d1) -> (0, 0)>
#map1 = affine_map<(d0, d1) -> (0, 0, 0)>
module attributes {stable_mosaic.version = 14 : i64} {
  func.func @gk(%arg0: i32, %arg1: i32, %arg2: memref<131072x16xf32, #tpu.memory_space<hbm>>, %arg3: memref<32x103x128xi32, #tpu.memory_space<hbm>>, %arg4: memref<421888x16xf32, #tpu.memory_space<hbm>>, %arg5: memref<103x128xi32, #tpu.memory_space<vmem>>, %arg6: memref<128x16xf32, #tpu.memory_space<vmem>>, %arg7: memref<!tpu.dma_semaphore, #tpu.memory_space<semaphore_mem>>) attributes {dimension_semantics = [#tpu.dimension_semantics<core_parallel>, #tpu.dimension_semantics<subcore_parallel>], iteration_bounds = array<i64: 2, 16>, scalar_prefetch = 0 : i64, scratch_operands = 3 : i64, tpu.core_type = #tpu.core_type<sc_vector_subcore>, window_params = [{transform_indices = #map}, {transform_indices = #map1}, {transform_indices = #map}]} {
    %mul3A = arith.constant 2 : i32
    %mul3A_0 = arith.muli %arg1, %mul3A : i32
    %add3A = arith.addi %mul3A_0, %arg0 : i32
    "tpu.region"() ({
      %run_scoped3A = tpu.sem_alloc : memref<!tpu.dma_semaphore, #tpu.memory_space<semaphore_mem>>
      %dma_start3A = arith.constant 0 : i32
      %dma_start3A_9 = arith.constant 0 : i32
      %dma_start3A_10 = tpu.memref_slice %arg3[%add3A, %dma_start3A, %dma_start3A_9] : memref<32x103x128xi32, #tpu.memory_space<hbm>> -> memref<1x103x128xi32, #tpu.memory_space<hbm>>
      %dma_start3A_11 = tpu.memref_squeeze %dma_start3A_10 : memref<1x103x128xi32, #tpu.memory_space<hbm>> -> memref<103x128xi32, #tpu.memory_space<hbm>>
      %dma_start3A_12 = arith.constant 0 : i32
      %dma_start3A_13 = arith.constant 0 : i32
      %dma_start3A_14 = tpu.memref_slice %arg3[%add3A, %dma_start3A_12, %dma_start3A_13] : memref<32x103x128xi32, #tpu.memory_space<hbm>> -> memref<1x103x128xi32, #tpu.memory_space<hbm>>
      %dma_start3A_15 = tpu.memref_squeeze %dma_start3A_14 : memref<1x103x128xi32, #tpu.memory_space<hbm>> -> memref<103x128xi32, #tpu.memory_space<hbm>>
      tpu.enqueue_dma source(%dma_start3A_15 : memref<103x128xi32, #tpu.memory_space<hbm>>) target(%arg5 : memref<103x128xi32, #tpu.memory_space<vmem>>) target_semaphore(%run_scoped3A : memref<!tpu.dma_semaphore, #tpu.memory_space<semaphore_mem>>)
      %dma_wait3A = arith.constant 0 : i32
      %dma_wait3A_16 = arith.constant 0 : i32
      %dma_wait3A_17 = tpu.memref_slice %arg3[%add3A, %dma_wait3A, %dma_wait3A_16] : memref<32x103x128xi32, #tpu.memory_space<hbm>> -> memref<1x103x128xi32, #tpu.memory_space<hbm>>
      %dma_wait3A_18 = tpu.memref_squeeze %dma_wait3A_17 : memref<1x103x128xi32, #tpu.memory_space<hbm>> -> memref<103x128xi32, #tpu.memory_space<hbm>>
      %dma_wait3A_19 = arith.constant 0 : i32
      %dma_wait3A_20 = arith.constant 0 : i32
      %dma_wait3A_21 = tpu.memref_slice %arg3[%add3A, %dma_wait3A_19, %dma_wait3A_20] : memref<32x103x128xi32, #tpu.memory_space<hbm>> -> memref<1x103x128xi32, #tpu.memory_space<hbm>>
      %dma_wait3A_22 = tpu.memref_squeeze %dma_wait3A_21 : memref<1x103x128xi32, #tpu.memory_space<hbm>> -> memref<103x128xi32, #tpu.memory_space<hbm>>
      tpu.wait_dma2 semaphore(%run_scoped3A : memref<!tpu.dma_semaphore, #tpu.memory_space<semaphore_mem>>) src(%dma_wait3A_22 : memref<103x128xi32, #tpu.memory_space<hbm>>) dst(%arg5 : memref<103x128xi32, #tpu.memory_space<vmem>>)
      tpu.yield
    }) : () -> ()
    %mul3A_1 = arith.constant 13184 : i32
    %mul3A_2 = arith.muli %add3A, %mul3A_1 : i32
    %scan3A = arith.constant 0 : i32
    %scan3A_3 = arith.constant 0 : i32
    %scan3A_4 = arith.constant 103 : i32
    %scan3A_5 = arith.addi %scan3A_3, %scan3A_4 : i32
    %scan3A_6 = arith.constant 1 : i32
    %scan3A_7 = scf.for %scan3A_9 = %scan3A_3 to %scan3A_5 step %scan3A_6 iter_args(%scan3A_10 = %scan3A) -> (i32)  : i32 {
      %dma_start3A = arith.constant 0 : i32
      %dma_start3A_11 = tpu.memref_slice %arg5[%scan3A_9, %dma_start3A] : memref<103x128xi32, #tpu.memory_space<vmem>> -> memref<1x128xi32, #tpu.memory_space<vmem>>
      %dma_start3A_12 = tpu.memref_squeeze %dma_start3A_11 : memref<1x128xi32, #tpu.memory_space<vmem>> -> memref<128xi32, #tpu.memory_space<vmem>>
      %dma_start3A_13 = arith.constant 0 : i32
      %dma_start3A_14 = arith.constant 0 : i32
      %dma_start3A_15 = tpu.memref_slice %arg2[%dma_start3A_13, %dma_start3A_14] : memref<131072x16xf32, #tpu.memory_space<hbm>> -> memref<131072x16xf32, #tpu.memory_space<hbm>>
      tpu.enqueue_indirect_dma source(%dma_start3A_15 : memref<131072x16xf32, #tpu.memory_space<hbm>>) target(%arg6 : memref<128x16xf32, #tpu.memory_space<vmem>>) offsets(%dma_start3A_12 : memref<128xi32, #tpu.memory_space<vmem>>) semaphore(%arg7 : memref<!tpu.dma_semaphore, #tpu.memory_space<semaphore_mem>>)
      %dma_wait3A = arith.constant 0 : i32
      %dma_wait3A_16 = tpu.memref_slice %arg5[%scan3A_9, %dma_wait3A] : memref<103x128xi32, #tpu.memory_space<vmem>> -> memref<1x128xi32, #tpu.memory_space<vmem>>
      %dma_wait3A_17 = tpu.memref_squeeze %dma_wait3A_16 : memref<1x128xi32, #tpu.memory_space<vmem>> -> memref<128xi32, #tpu.memory_space<vmem>>
      %dma_wait3A_18 = arith.constant 0 : i32
      %dma_wait3A_19 = arith.constant 0 : i32
      %dma_wait3A_20 = tpu.memref_slice %arg2[%dma_wait3A_18, %dma_wait3A_19] : memref<131072x16xf32, #tpu.memory_space<hbm>> -> memref<131072x16xf32, #tpu.memory_space<hbm>>
      tpu.wait_indirect_dma semaphore(%arg7 : memref<!tpu.dma_semaphore, #tpu.memory_space<semaphore_mem>>) src(%dma_wait3A_20 : memref<131072x16xf32, #tpu.memory_space<hbm>>) dst(%arg6 : memref<128x16xf32, #tpu.memory_space<vmem>>)
      %mul3A_21 = arith.constant 128 : i32
      %mul3A_22 = arith.muli %scan3A_9, %mul3A_21 : i32
      %add3A_23 = arith.addi %mul3A_2, %mul3A_22 : i32
      "tpu.region"() ({
        %run_scoped3A = tpu.sem_alloc : memref<!tpu.dma_semaphore, #tpu.memory_space<semaphore_mem>>
        %dma_start3A_25 = arith.constant 0 : i32
        %dma_start3A_26 = tpu.memref_slice %arg4[%add3A_23, %dma_start3A_25] : memref<421888x16xf32, #tpu.memory_space<hbm>> -> memref<128x16xf32, #tpu.memory_space<hbm>>
        %dma_start3A_27 = arith.constant 0 : i32
        %dma_start3A_28 = tpu.memref_slice %arg4[%add3A_23, %dma_start3A_27] : memref<421888x16xf32, #tpu.memory_space<hbm>> -> memref<128x16xf32, #tpu.memory_space<hbm>>
        tpu.enqueue_dma source(%arg6 : memref<128x16xf32, #tpu.memory_space<vmem>>) target(%dma_start3A_28 : memref<128x16xf32, #tpu.memory_space<hbm>>) target_semaphore(%run_scoped3A : memref<!tpu.dma_semaphore, #tpu.memory_space<semaphore_mem>>)
        %dma_wait3A_29 = arith.constant 0 : i32
        %dma_wait3A_30 = tpu.memref_slice %arg4[%add3A_23, %dma_wait3A_29] : memref<421888x16xf32, #tpu.memory_space<hbm>> -> memref<128x16xf32, #tpu.memory_space<hbm>>
        %dma_wait3A_31 = arith.constant 0 : i32
        %dma_wait3A_32 = tpu.memref_slice %arg4[%add3A_23, %dma_wait3A_31] : memref<421888x16xf32, #tpu.memory_space<hbm>> -> memref<128x16xf32, #tpu.memory_space<hbm>>
        tpu.wait_dma2 semaphore(%run_scoped3A : memref<!tpu.dma_semaphore, #tpu.memory_space<semaphore_mem>>) src(%arg6 : memref<128x16xf32, #tpu.memory_space<vmem>>) dst(%dma_wait3A_32 : memref<128x16xf32, #tpu.memory_space<hbm>>)
        tpu.yield
      }) : () -> ()
      %scan3A_24 = arith.constant 0 : i32
      scf.yield %scan3A_24 : i32
    }
    %scan3A_8 = arith.constant 103 : i32
    return
  }
}

module attributes {stable_mosaic.version = 14 : i64} {
  func.func @_fps_body(%arg0: memref<8x3x128x128xf32, #tpu.memory_space<vmem>>, %arg1: memref<256x8xi32, #tpu.memory_space<vmem>>) attributes {dimension_semantics = [], scalar_prefetch = 0 : i64, scratch_operands = 0 : i64, tpu.core_type = #tpu.core_type<tc>} {
    %get3A = arith.constant 0 : index
    %get3A_0 = arith.constant 0 : index
    %get3A_1 = arith.constant 0 : index
    %get3A_2 = arith.constant 0 : index
    %get3A_3 = vector.load %arg0[%get3A, %get3A_0, %get3A_1, %get3A_2] : memref<8x3x128x128xf32, #tpu.memory_space<vmem>>, vector<8x1x128x128xf32>
    %get3A_4 = vector.shape_cast %get3A_3 : vector<8x1x128x128xf32> to vector<8x128x128xf32>
    %get3A_5 = arith.constant 0 : index
    %get3A_6 = arith.constant 1 : index
    %get3A_7 = arith.constant 0 : index
    %get3A_8 = arith.constant 0 : index
    %get3A_9 = vector.load %arg0[%get3A_5, %get3A_6, %get3A_7, %get3A_8] : memref<8x3x128x128xf32, #tpu.memory_space<vmem>>, vector<8x1x128x128xf32>
    %get3A_10 = vector.shape_cast %get3A_9 : vector<8x1x128x128xf32> to vector<8x128x128xf32>
    %get3A_11 = arith.constant 0 : index
    %get3A_12 = arith.constant 2 : index
    %get3A_13 = arith.constant 0 : index
    %get3A_14 = arith.constant 0 : index
    %get3A_15 = vector.load %arg0[%get3A_11, %get3A_12, %get3A_13, %get3A_14] : memref<8x3x128x128xf32, #tpu.memory_space<vmem>>, vector<8x1x128x128xf32>
    %get3A_16 = vector.shape_cast %get3A_15 : vector<8x1x128x128xf32> to vector<8x128x128xf32>
    %iota3A = tpu.iota {dimensions = array<i32: 1>} : vector<8x128x128xi32>
    %mul3A = arith.constant 128 : i32
    %mul3A_17 = vector.broadcast %mul3A : i32 to vector<8x128x128xi32>
    %mul3A_18 = arith.muli %iota3A, %mul3A_17 : vector<8x128x128xi32>
    %iota3A_19 = tpu.iota {dimensions = array<i32: 2>} : vector<8x128x128xi32>
    %add3A = arith.addi %mul3A_18, %iota3A_19 : vector<8x128x128xi32>
    %broadcast_in_dim3A = arith.constant 1.000000e+10 : f32
    %broadcast_in_dim3A_20 = vector.broadcast %broadcast_in_dim3A : f32 to vector<8x128x128xf32>
    %broadcast_in_dim3A_21 = arith.constant 0 : i32
    %broadcast_in_dim3A_22 = vector.broadcast %broadcast_in_dim3A_21 : i32 to vector<8xi32>
    %scan3A = arith.constant 0 : i32
    %scan3A_23 = arith.constant 256 : i32
    %scan3A_24 = arith.addi %scan3A, %scan3A_23 : i32
    %scan3A_25 = arith.constant 1 : i32
    %scan3A_26:2 = scf.for %scan3A_28 = %scan3A to %scan3A_24 step %scan3A_25 iter_args(%scan3A_29 = %broadcast_in_dim3A_20, %scan3A_30 = %broadcast_in_dim3A_22) -> (vector<8x128x128xf32>, vector<8xi32>)  : i32 {
      %reshape3A = vector.shape_cast %scan3A_30 : vector<8xi32> to vector<1x8xi32>
      %swap3A = arith.index_cast %scan3A_28 : i32 to index
      %swap3A_31 = arith.constant 0 : index
      %swap3A_32 = vector.load %arg1[%swap3A, %swap3A_31] : memref<256x8xi32, #tpu.memory_space<vmem>>, vector<1x8xi32>
      tpu.vector_store %arg1[%swap3A, %swap3A_31], %reshape3A {strides = array<i32>} : memref<256x8xi32, #tpu.memory_space<vmem>>, vector<1x8xi32>,
      %broadcast_in_dim3A_33 = vector.shape_cast %scan3A_30 : vector<8xi32> to vector<8x1x1xi32>
      %eq3A = vector.broadcast %broadcast_in_dim3A_33 : vector<8x1x1xi32> to vector<8x128x128xi32>
      %eq3A_34 = arith.cmpi eq, %add3A, %eq3A : vector<8x128x128xi32>
      %jit3A = arith.constant 0.000000e+00 : f32
      %broadcast_in_dim3A_35 = vector.broadcast %jit3A : f32 to vector<8x128x128xf32>
      %select_n3A = arith.select %eq3A_34, %get3A_4, %broadcast_in_dim3A_35 : vector<8x128x128xi1>, vector<8x128x128xf32>
      %reduce_sum3A = arith.constant dense<0.000000e+00> : vector<8x128xf32>
      %reduce_sum3A_36 = vector.multi_reduction <add>, %select_n3A, %reduce_sum3A [2] : vector<8x128x128xf32> to vector<8x128xf32>
      %broadcast_in_dim3A_37 = vector.shape_cast %reduce_sum3A_36 : vector<8x128xf32> to vector<8x128x1xf32>
      %reduce_sum3A_38 = arith.constant dense<0.000000e+00> : vector<8x1xf32>
      %reduce_sum3A_39 = vector.multi_reduction <add>, %broadcast_in_dim3A_37, %reduce_sum3A_38 [1] : vector<8x128x1xf32> to vector<8x1xf32>
      %broadcast_in_dim3A_40 = vector.shape_cast %reduce_sum3A_39 : vector<8x1xf32> to vector<8x1x1xf32>
      %jit3A_41 = arith.constant 0.000000e+00 : f32
      %broadcast_in_dim3A_42 = vector.broadcast %jit3A_41 : f32 to vector<8x128x128xf32>
      %select_n3A_43 = arith.select %eq3A_34, %get3A_10, %broadcast_in_dim3A_42 : vector<8x128x128xi1>, vector<8x128x128xf32>
      %reduce_sum3A_44 = arith.constant dense<0.000000e+00> : vector<8x128xf32>
      %reduce_sum3A_45 = vector.multi_reduction <add>, %select_n3A_43, %reduce_sum3A_44 [2] : vector<8x128x128xf32> to vector<8x128xf32>
      %broadcast_in_dim3A_46 = vector.shape_cast %reduce_sum3A_45 : vector<8x128xf32> to vector<8x128x1xf32>
      %reduce_sum3A_47 = arith.constant dense<0.000000e+00> : vector<8x1xf32>
      %reduce_sum3A_48 = vector.multi_reduction <add>, %broadcast_in_dim3A_46, %reduce_sum3A_47 [1] : vector<8x128x1xf32> to vector<8x1xf32>
      %broadcast_in_dim3A_49 = vector.shape_cast %reduce_sum3A_48 : vector<8x1xf32> to vector<8x1x1xf32>
      %jit3A_50 = arith.constant 0.000000e+00 : f32
      %broadcast_in_dim3A_51 = vector.broadcast %jit3A_50 : f32 to vector<8x128x128xf32>
      %select_n3A_52 = arith.select %eq3A_34, %get3A_16, %broadcast_in_dim3A_51 : vector<8x128x128xi1>, vector<8x128x128xf32>
      %reduce_sum3A_53 = arith.constant dense<0.000000e+00> : vector<8x128xf32>
      %reduce_sum3A_54 = vector.multi_reduction <add>, %select_n3A_52, %reduce_sum3A_53 [2] : vector<8x128x128xf32> to vector<8x128xf32>
      %broadcast_in_dim3A_55 = vector.shape_cast %reduce_sum3A_54 : vector<8x128xf32> to vector<8x128x1xf32>
      %reduce_sum3A_56 = arith.constant dense<0.000000e+00> : vector<8x1xf32>
      %reduce_sum3A_57 = vector.multi_reduction <add>, %broadcast_in_dim3A_55, %reduce_sum3A_56 [1] : vector<8x128x1xf32> to vector<8x1xf32>
      %broadcast_in_dim3A_58 = vector.shape_cast %reduce_sum3A_57 : vector<8x1xf32> to vector<8x1x1xf32>
      %sub3A = vector.broadcast %broadcast_in_dim3A_40 : vector<8x1x1xf32> to vector<8x128x128xf32>
      %sub3A_59 = arith.subf %get3A_4, %sub3A : vector<8x128x128xf32>
      %sub3A_60 = vector.broadcast %broadcast_in_dim3A_49 : vector<8x1x1xf32> to vector<8x128x128xf32>
      %sub3A_61 = arith.subf %get3A_10, %sub3A_60 : vector<8x128x128xf32>
      %sub3A_62 = vector.broadcast %broadcast_in_dim3A_58 : vector<8x1x1xf32> to vector<8x128x128xf32>
      %sub3A_63 = arith.subf %get3A_16, %sub3A_62 : vector<8x128x128xf32>
      %mul3A_64 = arith.mulf %sub3A_59, %sub3A_59 : vector<8x128x128xf32>
      %mul3A_65 = arith.mulf %sub3A_61, %sub3A_61 : vector<8x128x128xf32>
      %add3A_66 = arith.addf %mul3A_64, %mul3A_65 : vector<8x128x128xf32>
      %mul3A_67 = arith.mulf %sub3A_63, %sub3A_63 : vector<8x128x128xf32>
      %add3A_68 = arith.addf %add3A_66, %mul3A_67 : vector<8x128x128xf32>
      %min3A = arith.minimumf %scan3A_29, %add3A_68 : vector<8x128x128xf32>
      %reduce_max3A = arith.constant dense<0xFF800000> : vector<8x128xf32>
      %reduce_max3A_69 = vector.multi_reduction <maximumf>, %min3A, %reduce_max3A [2] : vector<8x128x128xf32> to vector<8x128xf32>
      %broadcast_in_dim3A_70 = vector.shape_cast %reduce_max3A_69 : vector<8x128xf32> to vector<8x128x1xf32>
      %reduce_max3A_71 = arith.constant dense<0xFF800000> : vector<8x1xf32>
      %reduce_max3A_72 = vector.multi_reduction <maximumf>, %broadcast_in_dim3A_70, %reduce_max3A_71 [1] : vector<8x128x1xf32> to vector<8x1xf32>
      %broadcast_in_dim3A_73 = vector.shape_cast %reduce_max3A_72 : vector<8x1xf32> to vector<8x1x1xf32>
      %eq3A_74 = vector.broadcast %broadcast_in_dim3A_73 : vector<8x1x1xf32> to vector<8x128x128xf32>
      %eq3A_75 = arith.cmpf oeq, %min3A, %eq3A_74 : vector<8x128x128xf32>
      %jit3A_76 = arith.constant 16384 : i32
      %broadcast_in_dim3A_77 = vector.broadcast %jit3A_76 : i32 to vector<8x128x128xi32>
      %select_n3A_78 = arith.select %eq3A_75, %add3A, %broadcast_in_dim3A_77 : vector<8x128x128xi1>, vector<8x128x128xi32>
      %reduce_min3A = arith.constant dense<2147483647> : vector<8x128xi32>
      %reduce_min3A_79 = vector.multi_reduction <minsi>, %select_n3A_78, %reduce_min3A [2] : vector<8x128x128xi32> to vector<8x128xi32>
      %broadcast_in_dim3A_80 = vector.shape_cast %reduce_min3A_79 : vector<8x128xi32> to vector<8x128x1xi32>
      %reduce_min3A_81 = arith.constant dense<2147483647> : vector<8x1xi32>
      %reduce_min3A_82 = vector.multi_reduction <minsi>, %broadcast_in_dim3A_80, %reduce_min3A_81 [1] : vector<8x128x1xi32> to vector<8x1xi32>
      %broadcast_in_dim3A_83 = vector.shape_cast %reduce_min3A_82 : vector<8x1xi32> to vector<8x1x1xi32>
      %squeeze3A = vector.shape_cast %broadcast_in_dim3A_83 : vector<8x1x1xi32> to vector<8xi32>
      scf.yield %min3A, %squeeze3A : vector<8x128x128xf32>, vector<8xi32>
    }
    %scan3A_27 = arith.constant 256 : i32
    return
  }
}

module attributes {stable_mosaic.version = 14 : i64} {
  func.func @_rotmlp_body(%arg0: i32, %arg1: i32, %arg2: memref<1x6x32x208xf32, #tpu.memory_space<vmem>>, %arg3: memref<1x32x3xf32, #tpu.memory_space<vmem>>, %arg4: memref<1x32x3x3xf32, #tpu.memory_space<vmem>>, %arg5: memref<6x64xf32, #tpu.memory_space<vmem>>, %arg6: memref<1x64xf32, #tpu.memory_space<vmem>>, %arg7: memref<64x64xf32, #tpu.memory_space<vmem>>, %arg8: memref<1x64xf32, #tpu.memory_space<vmem>>, %arg9: memref<64x64xf32, #tpu.memory_space<vmem>>, %arg10: memref<1x64xf32, #tpu.memory_space<vmem>>, %arg11: memref<1x32x64xf32, #tpu.memory_space<vmem>>) attributes {dimension_semantics = [#tpu.dimension_semantics<arbitrary>, #tpu.dimension_semantics<arbitrary>], iteration_bounds = array<i64: 8, 8>, scalar_prefetch = 0 : i64, scratch_operands = 0 : i64, tpu.core_type = #tpu.core_type<tc>, window_params = [{transform_indices = @transform_0, window_bounds = array<i64: 1, 6, 32, 208>}, {transform_indices = @transform_1, window_bounds = array<i64: 1, 32, 3>}, {transform_indices = @transform_2, window_bounds = array<i64: 1, 32, 3, 3>}, {pipeline_mode = #tpu.pipeline_mode<synchronous>, transform_indices = @transform_3, window_bounds = array<i64: 6, 64>}, {pipeline_mode = #tpu.pipeline_mode<synchronous>, transform_indices = @transform_4, window_bounds = array<i64: 1, 64>}, {pipeline_mode = #tpu.pipeline_mode<synchronous>, transform_indices = @transform_5, window_bounds = array<i64: 64, 64>}, {pipeline_mode = #tpu.pipeline_mode<synchronous>, transform_indices = @transform_6, window_bounds = array<i64: 1, 64>}, {pipeline_mode = #tpu.pipeline_mode<synchronous>, transform_indices = @transform_7, window_bounds = array<i64: 64, 64>}, {pipeline_mode = #tpu.pipeline_mode<synchronous>, transform_indices = @transform_8, window_bounds = array<i64: 1, 64>}, {transform_indices = @transform_9, window_bounds = array<i64: 1, 32, 64>}]} {
    %get3A = arith.constant 0 : index
    %get3A_0 = arith.constant 0 : index
    %get3A_1 = arith.constant 0 : index
    %get3A_2 = arith.constant 0 : index
    %get3A_3 = vector.load %arg2[%get3A, %get3A_0, %get3A_1, %get3A_2] : memref<1x6x32x208xf32, #tpu.memory_space<vmem>>, vector<1x6x32x208xf32>
    %get3A_4 = vector.shape_cast %get3A_3 : vector<1x6x32x208xf32> to vector<6x32x208xf32>
    %get3A_5 = arith.constant 0 : index
    %get3A_6 = arith.constant 0 : index
    %get3A_7 = arith.constant 0 : index
    %get3A_8 = vector.load %arg3[%get3A_5, %get3A_6, %get3A_7] : memref<1x32x3xf32, #tpu.memory_space<vmem>>, vector<1x32x3xf32>
    %get3A_9 = vector.shape_cast %get3A_8 : vector<1x32x3xf32> to vector<32x3xf32>
    %get3A_10 = arith.constant 0 : index
    %get3A_11 = arith.constant 0 : index
    %get3A_12 = arith.constant 0 : index
    %get3A_13 = arith.constant 0 : index
    %get3A_14 = vector.load %arg4[%get3A_10, %get3A_11, %get3A_12, %get3A_13] : memref<1x32x3x3xf32, #tpu.memory_space<vmem>>, vector<1x32x3x3xf32>
    %get3A_15 = vector.shape_cast %get3A_14 : vector<1x32x3x3xf32> to vector<32x3x3xf32>
    %get3A_16 = arith.constant 0 : index
    %get3A_17 = arith.constant 0 : index
    %get3A_18 = vector.load %arg5[%get3A_16, %get3A_17] : memref<6x64xf32, #tpu.memory_space<vmem>>, vector<6x64xf32>
    %broadcast_in_dim3A = arith.constant 0.000000e+00 : f32
    %broadcast_in_dim3A_19 = vector.broadcast %broadcast_in_dim3A : f32 to vector<32x208x64xf32>
    %get3A_20 = arith.constant 0 : index
    %get3A_21 = arith.constant 0 : index
    %get3A_22 = vector.load %arg6[%get3A_20, %get3A_21] : memref<1x64xf32, #tpu.memory_space<vmem>>, vector<1x64xf32>
    %squeeze3A = vector.shape_cast %get3A_22 : vector<1x64xf32> to vector<64xf32>
    %broadcast_in_dim3A_23 = vector.shape_cast %squeeze3A : vector<64xf32> to vector<1x1x64xf32>
    %add3A = vector.broadcast %broadcast_in_dim3A_23 : vector<1x1x64xf32> to vector<32x208x64xf32>
    %add3A_24 = arith.addf %broadcast_in_dim3A_19, %add3A : vector<32x208x64xf32>
    %broadcast_in_dim3A_25 = arith.constant 0.000000e+00 : f32
    %broadcast_in_dim3A_26 = vector.broadcast %broadcast_in_dim3A_25 : f32 to vector<32x208xf32>
    %broadcast_in_dim3A_27 = arith.constant 0.000000e+00 : f32
    %broadcast_in_dim3A_28 = vector.broadcast %broadcast_in_dim3A_27 : f32 to vector<32x208xf32>
    %slice3A = vector.extract_strided_slice %get3A_4 {offsets = [0, 0, 0], sizes = [1, 32, 208], strides = [1, 1, 1]} : vector<6x32x208xf32> to vector<1x32x208xf32>
    %squeeze3A_29 = vector.shape_cast %slice3A : vector<1x32x208xf32> to vector<32x208xf32>
    %slice3A_30 = vector.extract_strided_slice %get3A_9 {offsets = [0, 0], sizes = [32, 1], strides = [1, 1]} : vector<32x3xf32> to vector<32x1xf32>
    %squeeze3A_31 = vector.shape_cast %slice3A_30 : vector<32x1xf32> to vector<32xf32>
    %broadcast_in_dim3A_32 = vector.shape_cast %squeeze3A_31 : vector<32xf32> to vector<32x1xf32>
    %sub3A = vector.broadcast %broadcast_in_dim3A_32 : vector<32x1xf32> to vector<32x208xf32>
    %sub3A_33 = arith.subf %squeeze3A_29, %sub3A : vector<32x208xf32>
    %slice3A_34 = vector.extract_strided_slice %get3A_4 {offsets = [3, 0, 0], sizes = [1, 32, 208], strides = [1, 1, 1]} : vector<6x32x208xf32> to vector<1x32x208xf32>
    %squeeze3A_35 = vector.shape_cast %slice3A_34 : vector<1x32x208xf32> to vector<32x208xf32>
    %slice3A_36 = vector.extract_strided_slice %get3A_15 {offsets = [0, 0, 0], sizes = [32, 1, 1], strides = [1, 1, 1]} : vector<32x3x3xf32> to vector<32x1x1xf32>
    %squeeze3A_37 = vector.shape_cast %slice3A_36 : vector<32x1x1xf32> to vector<32xf32>
    %broadcast_in_dim3A_38 = vector.shape_cast %squeeze3A_37 : vector<32xf32> to vector<32x1xf32>
    %mul3A = vector.broadcast %broadcast_in_dim3A_38 : vector<32x1xf32> to vector<32x208xf32>
    %mul3A_39 = arith.mulf %sub3A_33, %mul3A : vector<32x208xf32>
    %add3A_40 = arith.addf %broadcast_in_dim3A_26, %mul3A_39 : vector<32x208xf32>
    %mul3A_41 = vector.broadcast %broadcast_in_dim3A_38 : vector<32x1xf32> to vector<32x208xf32>
    %mul3A_42 = arith.mulf %squeeze3A_35, %mul3A_41 : vector<32x208xf32>
    %add3A_43 = arith.addf %broadcast_in_dim3A_28, %mul3A_42 : vector<32x208xf32>
    %slice3A_44 = vector.extract_strided_slice %get3A_4 {offsets = [1, 0, 0], sizes = [1, 32, 208], strides = [1, 1, 1]} : vector<6x32x208xf32> to vector<1x32x208xf32>
    %squeeze3A_45 = vector.shape_cast %slice3A_44 : vector<1x32x208xf32> to vector<32x208xf32>
    %slice3A_46 = vector.extract_strided_slice %get3A_9 {offsets = [0, 1], sizes = [32, 1], strides = [1, 1]} : vector<32x3xf32> to vector<32x1xf32>
    %squeeze3A_47 = vector.shape_cast %slice3A_46 : vector<32x1xf32> to vector<32xf32>
    %broadcast_in_dim3A_48 = vector.shape_cast %squeeze3A_47 : vector<32xf32> to vector<32x1xf32>
    %sub3A_49 = vector.broadcast %broadcast_in_dim3A_48 : vector<32x1xf32> to vector<32x208xf32>
    %sub3A_50 = arith.subf %squeeze3A_45, %sub3A_49 : vector<32x208xf32>
    %slice3A_51 = vector.extract_strided_slice %get3A_4 {offsets = [4, 0, 0], sizes = [1, 32, 208], strides = [1, 1, 1]} : vector<6x32x208xf32> to vector<1x32x208xf32>
    %squeeze3A_52 = vector.shape_cast %slice3A_51 : vector<1x32x208xf32> to vector<32x208xf32>
    %slice3A_53 = vector.extract_strided_slice %get3A_15 {offsets = [0, 1, 0], sizes = [32, 1, 1], strides = [1, 1, 1]} : vector<32x3x3xf32> to vector<32x1x1xf32>
    %squeeze3A_54 = vector.shape_cast %slice3A_53 : vector<32x1x1xf32> to vector<32xf32>
    %broadcast_in_dim3A_55 = vector.shape_cast %squeeze3A_54 : vector<32xf32> to vector<32x1xf32>
    %mul3A_56 = vector.broadcast %broadcast_in_dim3A_55 : vector<32x1xf32> to vector<32x208xf32>
    %mul3A_57 = arith.mulf %sub3A_50, %mul3A_56 : vector<32x208xf32>
    %add3A_58 = arith.addf %add3A_40, %mul3A_57 : vector<32x208xf32>
    %mul3A_59 = vector.broadcast %broadcast_in_dim3A_55 : vector<32x1xf32> to vector<32x208xf32>
    %mul3A_60 = arith.mulf %squeeze3A_52, %mul3A_59 : vector<32x208xf32>
    %add3A_61 = arith.addf %add3A_43, %mul3A_60 : vector<32x208xf32>
    %slice3A_62 = vector.extract_strided_slice %get3A_4 {offsets = [2, 0, 0], sizes = [1, 32, 208], strides = [1, 1, 1]} : vector<6x32x208xf32> to vector<1x32x208xf32>
    %squeeze3A_63 = vector.shape_cast %slice3A_62 : vector<1x32x208xf32> to vector<32x208xf32>
    %slice3A_64 = vector.extract_strided_slice %get3A_9 {offsets = [0, 2], sizes = [32, 1], strides = [1, 1]} : vector<32x3xf32> to vector<32x1xf32>
    %squeeze3A_65 = vector.shape_cast %slice3A_64 : vector<32x1xf32> to vector<32xf32>
    %broadcast_in_dim3A_66 = vector.shape_cast %squeeze3A_65 : vector<32xf32> to vector<32x1xf32>
    %sub3A_67 = vector.broadcast %broadcast_in_dim3A_66 : vector<32x1xf32> to vector<32x208xf32>
    %sub3A_68 = arith.subf %squeeze3A_63, %sub3A_67 : vector<32x208xf32>
    %slice3A_69 = vector.extract_strided_slice %get3A_4 {offsets = [5, 0, 0], sizes = [1, 32, 208], strides = [1, 1, 1]} : vector<6x32x208xf32> to vector<1x32x208xf32>
    %squeeze3A_70 = vector.shape_cast %slice3A_69 : vector<1x32x208xf32> to vector<32x208xf32>
    %slice3A_71 = vector.extract_strided_slice %get3A_15 {offsets = [0, 2, 0], sizes = [32, 1, 1], strides = [1, 1, 1]} : vector<32x3x3xf32> to vector<32x1x1xf32>
    %squeeze3A_72 = vector.shape_cast %slice3A_71 : vector<32x1x1xf32> to vector<32xf32>
    %broadcast_in_dim3A_73 = vector.shape_cast %squeeze3A_72 : vector<32xf32> to vector<32x1xf32>
    %mul3A_74 = vector.broadcast %broadcast_in_dim3A_73 : vector<32x1xf32> to vector<32x208xf32>
    %mul3A_75 = arith.mulf %sub3A_68, %mul3A_74 : vector<32x208xf32>
    %add3A_76 = arith.addf %add3A_58, %mul3A_75 : vector<32x208xf32>
    %mul3A_77 = vector.broadcast %broadcast_in_dim3A_73 : vector<32x1xf32> to vector<32x208xf32>
    %mul3A_78 = arith.mulf %squeeze3A_70, %mul3A_77 : vector<32x208xf32>
    %add3A_79 = arith.addf %add3A_61, %mul3A_78 : vector<32x208xf32>
    %broadcast_in_dim3A_80 = vector.shape_cast %add3A_76 : vector<32x208xf32> to vector<32x208x1xf32>
    %slice3A_81 = vector.extract_strided_slice %get3A_18 {offsets = [0, 0], sizes = [1, 64], strides = [1, 1]} : vector<6x64xf32> to vector<1x64xf32>
    %squeeze3A_82 = vector.shape_cast %slice3A_81 : vector<1x64xf32> to vector<64xf32>
    %broadcast_in_dim3A_83 = vector.shape_cast %squeeze3A_82 : vector<64xf32> to vector<1x1x64xf32>
    %mul3A_84 = vector.broadcast %broadcast_in_dim3A_80 : vector<32x208x1xf32> to vector<32x208x64xf32>
    %mul3A_85 = vector.broadcast %broadcast_in_dim3A_83 : vector<1x1x64xf32> to vector<32x208x64xf32>
    %mul3A_86 = arith.mulf %mul3A_84, %mul3A_85 : vector<32x208x64xf32>
    %add3A_87 = arith.addf %add3A_24, %mul3A_86 : vector<32x208x64xf32>
    %broadcast_in_dim3A_88 = vector.shape_cast %add3A_79 : vector<32x208xf32> to vector<32x208x1xf32>
    %slice3A_89 = vector.extract_strided_slice %get3A_18 {offsets = [3, 0], sizes = [1, 64], strides = [1, 1]} : vector<6x64xf32> to vector<1x64xf32>
    %squeeze3A_90 = vector.shape_cast %slice3A_89 : vector<1x64xf32> to vector<64xf32>
    %broadcast_in_dim3A_91 = vector.shape_cast %squeeze3A_90 : vector<64xf32> to vector<1x1x64xf32>
    %mul3A_92 = vector.broadcast %broadcast_in_dim3A_88 : vector<32x208x1xf32> to vector<32x208x64xf32>
    %mul3A_93 = vector.broadcast %broadcast_in_dim3A_91 : vector<1x1x64xf32> to vector<32x208x64xf32>
    %mul3A_94 = arith.mulf %mul3A_92, %mul3A_93 : vector<32x208x64xf32>
    %add3A_95 = arith.addf %add3A_87, %mul3A_94 : vector<32x208x64xf32>
    %broadcast_in_dim3A_96 = arith.constant 0.000000e+00 : f32
    %broadcast_in_dim3A_97 = vector.broadcast %broadcast_in_dim3A_96 : f32 to vector<32x208xf32>
    %broadcast_in_dim3A_98 = arith.constant 0.000000e+00 : f32
    %broadcast_in_dim3A_99 = vector.broadcast %broadcast_in_dim3A_98 : f32 to vector<32x208xf32>
    %slice3A_100 = vector.extract_strided_slice %get3A_4 {offsets = [0, 0, 0], sizes = [1, 32, 208], strides = [1, 1, 1]} : vector<6x32x208xf32> to vector<1x32x208xf32>
    %squeeze3A_101 = vector.shape_cast %slice3A_100 : vector<1x32x208xf32> to vector<32x208xf32>
    %slice3A_102 = vector.extract_strided_slice %get3A_9 {offsets = [0, 0], sizes = [32, 1], strides = [1, 1]} : vector<32x3xf32> to vector<32x1xf32>
    %squeeze3A_103 = vector.shape_cast %slice3A_102 : vector<32x1xf32> to vector<32xf32>
    %broadcast_in_dim3A_104 = vector.shape_cast %squeeze3A_103 : vector<32xf32> to vector<32x1xf32>
    %sub3A_105 = vector.broadcast %broadcast_in_dim3A_104 : vector<32x1xf32> to vector<32x208xf32>
    %sub3A_106 = arith.subf %squeeze3A_101, %sub3A_105 : vector<32x208xf32>
    %slice3A_107 = vector.extract_strided_slice %get3A_4 {offsets = [3, 0, 0], sizes = [1, 32, 208], strides = [1, 1, 1]} : vector<6x32x208xf32> to vector<1x32x208xf32>
    %squeeze3A_108 = vector.shape_cast %slice3A_107 : vector<1x32x208xf32> to vector<32x208xf32>
    %slice3A_109 = vector.extract_strided_slice %get3A_15 {offsets = [0, 0, 1], sizes = [32, 1, 1], strides = [1, 1, 1]} : vector<32x3x3xf32> to vector<32x1x1xf32>
    %squeeze3A_110 = vector.shape_cast %slice3A_109 : vector<32x1x1xf32> to vector<32xf32>
    %broadcast_in_dim3A_111 = vector.shape_cast %squeeze3A_110 : vector<32xf32> to vector<32x1xf32>
    %mul3A_112 = vector.broadcast %broadcast_in_dim3A_111 : vector<32x1xf32> to vector<32x208xf32>
    %mul3A_113 = arith.mulf %sub3A_106, %mul3A_112 : vector<32x208xf32>
    %add3A_114 = arith.addf %broadcast_in_dim3A_97, %mul3A_113 : vector<32x208xf32>
    %mul3A_115 = vector.broadcast %broadcast_in_dim3A_111 : vector<32x1xf32> to vector<32x208xf32>
    %mul3A_116 = arith.mulf %squeeze3A_108, %mul3A_115 : vector<32x208xf32>
    %add3A_117 = arith.addf %broadcast_in_dim3A_99, %mul3A_116 : vector<32x208xf32>
    %slice3A_118 = vector.extract_strided_slice %get3A_4 {offsets = [1, 0, 0], sizes = [1, 32, 208], strides = [1, 1, 1]} : vector<6x32x208xf32> to vector<1x32x208xf32>
    %squeeze3A_119 = vector.shape_cast %slice3A_118 : vector<1x32x208xf32> to vector<32x208xf32>
    %slice3A_120 = vector.extract_strided_slice %get3A_9 {offsets = [0, 1], sizes = [32, 1], strides = [1, 1]} : vector<32x3xf32> to vector<32x1xf32>
    %squeeze3A_121 = vector.shape_cast %slice3A_120 : vector<32x1xf32> to vector<32xf32>
    %broadcast_in_dim3A_122 = vector.shape_cast %squeeze3A_121 : vector<32xf32> to vector<32x1xf32>
    %sub3A_123 = vector.broadcast %broadcast_in_dim3A_122 : vector<32x1xf32> to vector<32x208xf32>
    %sub3A_124 = arith.subf %squeeze3A_119, %sub3A_123 : vector<32x208xf32>
    %slice3A_125 = vector.extract_strided_slice %get3A_4 {offsets = [4, 0, 0], sizes = [1, 32, 208], strides = [1, 1, 1]} : vector<6x32x208xf32> to vector<1x32x208xf32>
    %squeeze3A_126 = vector.shape_cast %slice3A_125 : vector<1x32x208xf32> to vector<32x208xf32>
    %slice3A_127 = vector.extract_strided_slice %get3A_15 {offsets = [0, 1, 1], sizes = [32, 1, 1], strides = [1, 1, 1]} : vector<32x3x3xf32> to vector<32x1x1xf32>
    %squeeze3A_128 = vector.shape_cast %slice3A_127 : vector<32x1x1xf32> to vector<32xf32>
    %broadcast_in_dim3A_129 = vector.shape_cast %squeeze3A_128 : vector<32xf32> to vector<32x1xf32>
    %mul3A_130 = vector.broadcast %broadcast_in_dim3A_129 : vector<32x1xf32> to vector<32x208xf32>
    %mul3A_131 = arith.mulf %sub3A_124, %mul3A_130 : vector<32x208xf32>
    %add3A_132 = arith.addf %add3A_114, %mul3A_131 : vector<32x208xf32>
    %mul3A_133 = vector.broadcast %broadcast_in_dim3A_129 : vector<32x1xf32> to vector<32x208xf32>
    %mul3A_134 = arith.mulf %squeeze3A_126, %mul3A_133 : vector<32x208xf32>
    %add3A_135 = arith.addf %add3A_117, %mul3A_134 : vector<32x208xf32>
    %slice3A_136 = vector.extract_strided_slice %get3A_4 {offsets = [2, 0, 0], sizes = [1, 32, 208], strides = [1, 1, 1]} : vector<6x32x208xf32> to vector<1x32x208xf32>
    %squeeze3A_137 = vector.shape_cast %slice3A_136 : vector<1x32x208xf32> to vector<32x208xf32>
    %slice3A_138 = vector.extract_strided_slice %get3A_9 {offsets = [0, 2], sizes = [32, 1], strides = [1, 1]} : vector<32x3xf32> to vector<32x1xf32>
    %squeeze3A_139 = vector.shape_cast %slice3A_138 : vector<32x1xf32> to vector<32xf32>
    %broadcast_in_dim3A_140 = vector.shape_cast %squeeze3A_139 : vector<32xf32> to vector<32x1xf32>
    %sub3A_141 = vector.broadcast %broadcast_in_dim3A_140 : vector<32x1xf32> to vector<32x208xf32>
    %sub3A_142 = arith.subf %squeeze3A_137, %sub3A_141 : vector<32x208xf32>
    %slice3A_143 = vector.extract_strided_slice %get3A_4 {offsets = [5, 0, 0], sizes = [1, 32, 208], strides = [1, 1, 1]} : vector<6x32x208xf32> to vector<1x32x208xf32>
    %squeeze3A_144 = vector.shape_cast %slice3A_143 : vector<1x32x208xf32> to vector<32x208xf32>
    %slice3A_145 = vector.extract_strided_slice %get3A_15 {offsets = [0, 2, 1], sizes = [32, 1, 1], strides = [1, 1, 1]} : vector<32x3x3xf32> to vector<32x1x1xf32>
    %squeeze3A_146 = vector.shape_cast %slice3A_145 : vector<32x1x1xf32> to vector<32xf32>
    %broadcast_in_dim3A_147 = vector.shape_cast %squeeze3A_146 : vector<32xf32> to vector<32x1xf32>
    %mul3A_148 = vector.broadcast %broadcast_in_dim3A_147 : vector<32x1xf32> to vector<32x208xf32>
    %mul3A_149 = arith.mulf %sub3A_142, %mul3A_148 : vector<32x208xf32>
    %add3A_150 = arith.addf %add3A_132, %mul3A_149 : vector<32x208xf32>
    %mul3A_151 = vector.broadcast %broadcast_in_dim3A_147 : vector<32x1xf32> to vector<32x208xf32>
    %mul3A_152 = arith.mulf %squeeze3A_144, %mul3A_151 : vector<32x208xf32>
    %add3A_153 = arith.addf %add3A_135, %mul3A_152 : vector<32x208xf32>
    %broadcast_in_dim3A_154 = vector.shape_cast %add3A_150 : vector<32x208xf32> to vector<32x208x1xf32>
    %slice3A_155 = vector.extract_strided_slice %get3A_18 {offsets = [1, 0], sizes = [1, 64], strides = [1, 1]} : vector<6x64xf32> to vector<1x64xf32>
    %squeeze3A_156 = vector.shape_cast %slice3A_155 : vector<1x64xf32> to vector<64xf32>
    %broadcast_in_dim3A_157 = vector.shape_cast %squeeze3A_156 : vector<64xf32> to vector<1x1x64xf32>
    %mul3A_158 = vector.broadcast %broadcast_in_dim3A_154 : vector<32x208x1xf32> to vector<32x208x64xf32>
    %mul3A_159 = vector.broadcast %broadcast_in_dim3A_157 : vector<1x1x64xf32> to vector<32x208x64xf32>
    %mul3A_160 = arith.mulf %mul3A_158, %mul3A_159 : vector<32x208x64xf32>
    %add3A_161 = arith.addf %add3A_95, %mul3A_160 : vector<32x208x64xf32>
    %broadcast_in_dim3A_162 = vector.shape_cast %add3A_153 : vector<32x208xf32> to vector<32x208x1xf32>
    %slice3A_163 = vector.extract_strided_slice %get3A_18 {offsets = [4, 0], sizes = [1, 64], strides = [1, 1]} : vector<6x64xf32> to vector<1x64xf32>
    %squeeze3A_164 = vector.shape_cast %slice3A_163 : vector<1x64xf32> to vector<64xf32>
    %broadcast_in_dim3A_165 = vector.shape_cast %squeeze3A_164 : vector<64xf32> to vector<1x1x64xf32>
    %mul3A_166 = vector.broadcast %broadcast_in_dim3A_162 : vector<32x208x1xf32> to vector<32x208x64xf32>
    %mul3A_167 = vector.broadcast %broadcast_in_dim3A_165 : vector<1x1x64xf32> to vector<32x208x64xf32>
    %mul3A_168 = arith.mulf %mul3A_166, %mul3A_167 : vector<32x208x64xf32>
    %add3A_169 = arith.addf %add3A_161, %mul3A_168 : vector<32x208x64xf32>
    %broadcast_in_dim3A_170 = arith.constant 0.000000e+00 : f32
    %broadcast_in_dim3A_171 = vector.broadcast %broadcast_in_dim3A_170 : f32 to vector<32x208xf32>
    %broadcast_in_dim3A_172 = arith.constant 0.000000e+00 : f32
    %broadcast_in_dim3A_173 = vector.broadcast %broadcast_in_dim3A_172 : f32 to vector<32x208xf32>
    %slice3A_174 = vector.extract_strided_slice %get3A_4 {offsets = [0, 0, 0], sizes = [1, 32, 208], strides = [1, 1, 1]} : vector<6x32x208xf32> to vector<1x32x208xf32>
    %squeeze3A_175 = vector.shape_cast %slice3A_174 : vector<1x32x208xf32> to vector<32x208xf32>
    %slice3A_176 = vector.extract_strided_slice %get3A_9 {offsets = [0, 0], sizes = [32, 1], strides = [1, 1]} : vector<32x3xf32> to vector<32x1xf32>
    %squeeze3A_177 = vector.shape_cast %slice3A_176 : vector<32x1xf32> to vector<32xf32>
    %broadcast_in_dim3A_178 = vector.shape_cast %squeeze3A_177 : vector<32xf32> to vector<32x1xf32>
    %sub3A_179 = vector.broadcast %broadcast_in_dim3A_178 : vector<32x1xf32> to vector<32x208xf32>
    %sub3A_180 = arith.subf %squeeze3A_175, %sub3A_179 : vector<32x208xf32>
    %slice3A_181 = vector.extract_strided_slice %get3A_4 {offsets = [3, 0, 0], sizes = [1, 32, 208], strides = [1, 1, 1]} : vector<6x32x208xf32> to vector<1x32x208xf32>
    %squeeze3A_182 = vector.shape_cast %slice3A_181 : vector<1x32x208xf32> to vector<32x208xf32>
    %slice3A_183 = vector.extract_strided_slice %get3A_15 {offsets = [0, 0, 2], sizes = [32, 1, 1], strides = [1, 1, 1]} : vector<32x3x3xf32> to vector<32x1x1xf32>
    %squeeze3A_184 = vector.shape_cast %slice3A_183 : vector<32x1x1xf32> to vector<32xf32>
    %broadcast_in_dim3A_185 = vector.shape_cast %squeeze3A_184 : vector<32xf32> to vector<32x1xf32>
    %mul3A_186 = vector.broadcast %broadcast_in_dim3A_185 : vector<32x1xf32> to vector<32x208xf32>
    %mul3A_187 = arith.mulf %sub3A_180, %mul3A_186 : vector<32x208xf32>
    %add3A_188 = arith.addf %broadcast_in_dim3A_171, %mul3A_187 : vector<32x208xf32>
    %mul3A_189 = vector.broadcast %broadcast_in_dim3A_185 : vector<32x1xf32> to vector<32x208xf32>
    %mul3A_190 = arith.mulf %squeeze3A_182, %mul3A_189 : vector<32x208xf32>
    %add3A_191 = arith.addf %broadcast_in_dim3A_173, %mul3A_190 : vector<32x208xf32>
    %slice3A_192 = vector.extract_strided_slice %get3A_4 {offsets = [1, 0, 0], sizes = [1, 32, 208], strides = [1, 1, 1]} : vector<6x32x208xf32> to vector<1x32x208xf32>
    %squeeze3A_193 = vector.shape_cast %slice3A_192 : vector<1x32x208xf32> to vector<32x208xf32>
    %slice3A_194 = vector.extract_strided_slice %get3A_9 {offsets = [0, 1], sizes = [32, 1], strides = [1, 1]} : vector<32x3xf32> to vector<32x1xf32>
    %squeeze3A_195 = vector.shape_cast %slice3A_194 : vector<32x1xf32> to vector<32xf32>
    %broadcast_in_dim3A_196 = vector.shape_cast %squeeze3A_195 : vector<32xf32> to vector<32x1xf32>
    %sub3A_197 = vector.broadcast %broadcast_in_dim3A_196 : vector<32x1xf32> to vector<32x208xf32>
    %sub3A_198 = arith.subf %squeeze3A_193, %sub3A_197 : vector<32x208xf32>
    %slice3A_199 = vector.extract_strided_slice %get3A_4 {offsets = [4, 0, 0], sizes = [1, 32, 208], strides = [1, 1, 1]} : vector<6x32x208xf32> to vector<1x32x208xf32>
    %squeeze3A_200 = vector.shape_cast %slice3A_199 : vector<1x32x208xf32> to vector<32x208xf32>
    %slice3A_201 = vector.extract_strided_slice %get3A_15 {offsets = [0, 1, 2], sizes = [32, 1, 1], strides = [1, 1, 1]} : vector<32x3x3xf32> to vector<32x1x1xf32>
    %squeeze3A_202 = vector.shape_cast %slice3A_201 : vector<32x1x1xf32> to vector<32xf32>
    %broadcast_in_dim3A_203 = vector.shape_cast %squeeze3A_202 : vector<32xf32> to vector<32x1xf32>
    %mul3A_204 = vector.broadcast %broadcast_in_dim3A_203 : vector<32x1xf32> to vector<32x208xf32>
    %mul3A_205 = arith.mulf %sub3A_198, %mul3A_204 : vector<32x208xf32>
    %add3A_206 = arith.addf %add3A_188, %mul3A_205 : vector<32x208xf32>
    %mul3A_207 = vector.broadcast %broadcast_in_dim3A_203 : vector<32x1xf32> to vector<32x208xf32>
    %mul3A_208 = arith.mulf %squeeze3A_200, %mul3A_207 : vector<32x208xf32>
    %add3A_209 = arith.addf %add3A_191, %mul3A_208 : vector<32x208xf32>
    %slice3A_210 = vector.extract_strided_slice %get3A_4 {offsets = [2, 0, 0], sizes = [1, 32, 208], strides = [1, 1, 1]} : vector<6x32x208xf32> to vector<1x32x208xf32>
    %squeeze3A_211 = vector.shape_cast %slice3A_210 : vector<1x32x208xf32> to vector<32x208xf32>
    %slice3A_212 = vector.extract_strided_slice %get3A_9 {offsets = [0, 2], sizes = [32, 1], strides = [1, 1]} : vector<32x3xf32> to vector<32x1xf32>
    %squeeze3A_213 = vector.shape_cast %slice3A_212 : vector<32x1xf32> to vector<32xf32>
    %broadcast_in_dim3A_214 = vector.shape_cast %squeeze3A_213 : vector<32xf32> to vector<32x1xf32>
    %sub3A_215 = vector.broadcast %broadcast_in_dim3A_214 : vector<32x1xf32> to vector<32x208xf32>
    %sub3A_216 = arith.subf %squeeze3A_211, %sub3A_215 : vector<32x208xf32>
    %slice3A_217 = vector.extract_strided_slice %get3A_4 {offsets = [5, 0, 0], sizes = [1, 32, 208], strides = [1, 1, 1]} : vector<6x32x208xf32> to vector<1x32x208xf32>
    %squeeze3A_218 = vector.shape_cast %slice3A_217 : vector<1x32x208xf32> to vector<32x208xf32>
    %slice3A_219 = vector.extract_strided_slice %get3A_15 {offsets = [0, 2, 2], sizes = [32, 1, 1], strides = [1, 1, 1]} : vector<32x3x3xf32> to vector<32x1x1xf32>
    %squeeze3A_220 = vector.shape_cast %slice3A_219 : vector<32x1x1xf32> to vector<32xf32>
    %broadcast_in_dim3A_221 = vector.shape_cast %squeeze3A_220 : vector<32xf32> to vector<32x1xf32>
    %mul3A_222 = vector.broadcast %broadcast_in_dim3A_221 : vector<32x1xf32> to vector<32x208xf32>
    %mul3A_223 = arith.mulf %sub3A_216, %mul3A_222 : vector<32x208xf32>
    %add3A_224 = arith.addf %add3A_206, %mul3A_223 : vector<32x208xf32>
    %mul3A_225 = vector.broadcast %broadcast_in_dim3A_221 : vector<32x1xf32> to vector<32x208xf32>
    %mul3A_226 = arith.mulf %squeeze3A_218, %mul3A_225 : vector<32x208xf32>
    %add3A_227 = arith.addf %add3A_209, %mul3A_226 : vector<32x208xf32>
    %broadcast_in_dim3A_228 = vector.shape_cast %add3A_224 : vector<32x208xf32> to vector<32x208x1xf32>
    %slice3A_229 = vector.extract_strided_slice %get3A_18 {offsets = [2, 0], sizes = [1, 64], strides = [1, 1]} : vector<6x64xf32> to vector<1x64xf32>
    %squeeze3A_230 = vector.shape_cast %slice3A_229 : vector<1x64xf32> to vector<64xf32>
    %broadcast_in_dim3A_231 = vector.shape_cast %squeeze3A_230 : vector<64xf32> to vector<1x1x64xf32>
    %mul3A_232 = vector.broadcast %broadcast_in_dim3A_228 : vector<32x208x1xf32> to vector<32x208x64xf32>
    %mul3A_233 = vector.broadcast %broadcast_in_dim3A_231 : vector<1x1x64xf32> to vector<32x208x64xf32>
    %mul3A_234 = arith.mulf %mul3A_232, %mul3A_233 : vector<32x208x64xf32>
    %add3A_235 = arith.addf %add3A_169, %mul3A_234 : vector<32x208x64xf32>
    %broadcast_in_dim3A_236 = vector.shape_cast %add3A_227 : vector<32x208xf32> to vector<32x208x1xf32>
    %slice3A_237 = vector.extract_strided_slice %get3A_18 {offsets = [5, 0], sizes = [1, 64], strides = [1, 1]} : vector<6x64xf32> to vector<1x64xf32>
    %squeeze3A_238 = vector.shape_cast %slice3A_237 : vector<1x64xf32> to vector<64xf32>
    %broadcast_in_dim3A_239 = vector.shape_cast %squeeze3A_238 : vector<64xf32> to vector<1x1x64xf32>
    %mul3A_240 = vector.broadcast %broadcast_in_dim3A_236 : vector<32x208x1xf32> to vector<32x208x64xf32>
    %mul3A_241 = vector.broadcast %broadcast_in_dim3A_239 : vector<1x1x64xf32> to vector<32x208x64xf32>
    %mul3A_242 = arith.mulf %mul3A_240, %mul3A_241 : vector<32x208x64xf32>
    %add3A_243 = arith.addf %add3A_235, %mul3A_242 : vector<32x208x64xf32>
    %max3A = arith.constant 0.000000e+00 : f32
    %max3A_244 = vector.broadcast %max3A : f32 to vector<32x208x64xf32>
    %max3A_245 = arith.maximumf %add3A_243, %max3A_244 : vector<32x208x64xf32>
    %reshape3A = vector.shape_cast %max3A_245 : vector<32x208x64xf32> to vector<6656x64xf32>
    %get3A_246 = arith.constant 0 : index
    %get3A_247 = arith.constant 0 : index
    %get3A_248 = vector.load %arg7[%get3A_246, %get3A_247] : memref<64x64xf32, #tpu.memory_space<vmem>>, vector<64x64xf32>
    %dot_general3A = arith.constant dense<0.000000e+00> : vector<6656x64xf32>
    %dot_general3A_249 = tpu.matmul %reshape3A, %get3A_248, %dot_general3A {dimension_numbers = #tpu.dot_dimension_numbers<[1], [0], [0], [1], [0, 0, 1, 1], [], []>, transpose_lhs_hint = false} : vector<6656x64xf32>, vector<64x64xf32>, vector<6656x64xf32> -> vector<6656x64xf32>
    %get3A_250 = arith.constant 0 : index
    %get3A_251 = arith.constant 0 : index
    %get3A_252 = vector.load %arg8[%get3A_250, %get3A_251] : memref<1x64xf32, #tpu.memory_space<vmem>>, vector<1x64xf32>
    %add3A_253 = vector.broadcast %get3A_252 : vector<1x64xf32> to vector<6656x64xf32>
    %add3A_254 = arith.addf %dot_general3A_249, %add3A_253 : vector<6656x64xf32>
    %max3A_255 = arith.constant 0.000000e+00 : f32
    %max3A_256 = vector.broadcast %max3A_255 : f32 to vector<6656x64xf32>
    %max3A_257 = arith.maximumf %add3A_254, %max3A_256 : vector<6656x64xf32>
    %get3A_258 = arith.constant 0 : index
    %get3A_259 = arith.constant 0 : index
    %get3A_260 = vector.load %arg9[%get3A_258, %get3A_259] : memref<64x64xf32, #tpu.memory_space<vmem>>, vector<64x64xf32>
    %dot_general3A_261 = arith.constant dense<0.000000e+00> : vector<6656x64xf32>
    %dot_general3A_262 = tpu.matmul %max3A_257, %get3A_260, %dot_general3A_261 {dimension_numbers = #tpu.dot_dimension_numbers<[1], [0], [0], [1], [0, 0, 1, 1], [], []>, transpose_lhs_hint = false} : vector<6656x64xf32>, vector<64x64xf32>, vector<6656x64xf32> -> vector<6656x64xf32>
    %get3A_263 = arith.constant 0 : index
    %get3A_264 = arith.constant 0 : index
    %get3A_265 = vector.load %arg10[%get3A_263, %get3A_264] : memref<1x64xf32, #tpu.memory_space<vmem>>, vector<1x64xf32>
    %add3A_266 = vector.broadcast %get3A_265 : vector<1x64xf32> to vector<6656x64xf32>
    %add3A_267 = arith.addf %dot_general3A_262, %add3A_266 : vector<6656x64xf32>
    %reshape3A_268 = vector.shape_cast %add3A_267 : vector<6656x64xf32> to vector<32x208x64xf32>
    %iota3A = tpu.iota {dimensions = array<i32: 1>} : vector<1x208x1xi32>
    %lt3A = arith.constant 205 : i32
    %lt3A_269 = vector.broadcast %lt3A : i32 to vector<1x208x1xi32>
    %lt3A_270 = arith.cmpi slt, %iota3A, %lt3A_269 : vector<1x208x1xi32>
    %jit3A = arith.constant 0xFF800000 : f32
    %broadcast_in_dim3A_271 = vector.shape_cast %lt3A_270 : vector<1x208x1xi1> to vector<1x208x1xi1>
    %broadcast_in_dim3A_272 = vector.broadcast %broadcast_in_dim3A_271 : vector<1x208x1xi1> to vector<32x208x64xi1>
    %broadcast_in_dim3A_273 = vector.broadcast %jit3A : f32 to vector<32x208x64xf32>
    %select_n3A = arith.select %broadcast_in_dim3A_272, %reshape3A_268, %broadcast_in_dim3A_273 : vector<32x208x64xi1>, vector<32x208x64xf32>
    %reduce_max3A = arith.constant dense<0xFF800000> : vector<32x64xf32>
    %reduce_max3A_274 = vector.multi_reduction <maximumf>, %select_n3A, %reduce_max3A [1] : vector<32x208x64xf32> to vector<32x64xf32>
    %swap3A = arith.constant 0 : index
    %swap3A_275 = arith.constant 0 : index
    %swap3A_276 = arith.constant 0 : index
    %swap3A_277 = vector.load %arg11[%swap3A, %swap3A_275, %swap3A_276] : memref<1x32x64xf32, #tpu.memory_space<vmem>>, vector<1x32x64xf32>
    %swap3A_278 = vector.shape_cast %swap3A_277 : vector<1x32x64xf32> to vector<32x64xf32>
    %swap3A_279 = vector.shape_cast %reduce_max3A_274 : vector<32x64xf32> to vector<1x32x64xf32>
    tpu.vector_store %arg11[%swap3A, %swap3A_275, %swap3A_276], %swap3A_279 {strides = array<i32>} : memref<1x32x64xf32, #tpu.memory_space<vmem>>, vector<1x32x64xf32>,
    return
  }
  func.func @transform_0(%arg0: i32, %arg1: i32) -> (i32, i32, i32, i32) {
    %c0_i32 = arith.constant 0 : i32
    %c0_i32_0 = arith.constant 0 : i32
    %c0_i32_1 = arith.constant 0 : i32
    return %arg0, %c0_i32, %arg1, %c0_i32_0 : i32, i32, i32, i32
  }
  func.func @transform_1(%arg0: i32, %arg1: i32) -> (i32, i32, i32) {
    %c0_i32 = arith.constant 0 : i32
    %c0_i32_0 = arith.constant 0 : i32
    return %arg0, %arg1, %c0_i32 : i32, i32, i32
  }
  func.func @transform_2(%arg0: i32, %arg1: i32) -> (i32, i32, i32, i32) {
    %c0_i32 = arith.constant 0 : i32
    %c0_i32_0 = arith.constant 0 : i32
    %c0_i32_1 = arith.constant 0 : i32
    return %arg0, %arg1, %c0_i32, %c0_i32_0 : i32, i32, i32, i32
  }
  func.func @transform_3(%arg0: i32, %arg1: i32) -> (i32, i32) {
    %c0_i32 = arith.constant 0 : i32
    %c0_i32_0 = arith.constant 0 : i32
    %c0_i32_1 = arith.constant 0 : i32
    return %c0_i32, %c0_i32_0 : i32, i32
  }
  func.func @transform_4(%arg0: i32, %arg1: i32) -> (i32, i32) {
    %c0_i32 = arith.constant 0 : i32
    %c0_i32_0 = arith.constant 0 : i32
    %c0_i32_1 = arith.constant 0 : i32
    return %c0_i32, %c0_i32_0 : i32, i32
  }
  func.func @transform_5(%arg0: i32, %arg1: i32) -> (i32, i32) {
    %c0_i32 = arith.constant 0 : i32
    %c0_i32_0 = arith.constant 0 : i32
    %c0_i32_1 = arith.constant 0 : i32
    return %c0_i32, %c0_i32_0 : i32, i32
  }
  func.func @transform_6(%arg0: i32, %arg1: i32) -> (i32, i32) {
    %c0_i32 = arith.constant 0 : i32
    %c0_i32_0 = arith.constant 0 : i32
    %c0_i32_1 = arith.constant 0 : i32
    return %c0_i32, %c0_i32_0 : i32, i32
  }
  func.func @transform_7(%arg0: i32, %arg1: i32) -> (i32, i32) {
    %c0_i32 = arith.constant 0 : i32
    %c0_i32_0 = arith.constant 0 : i32
    %c0_i32_1 = arith.constant 0 : i32
    return %c0_i32, %c0_i32_0 : i32, i32
  }
  func.func @transform_8(%arg0: i32, %arg1: i32) -> (i32, i32) {
    %c0_i32 = arith.constant 0 : i32
    %c0_i32_0 = arith.constant 0 : i32
    %c0_i32_1 = arith.constant 0 : i32
    return %c0_i32, %c0_i32_0 : i32, i32
  }
  func.func @transform_9(%arg0: i32, %arg1: i32) -> (i32, i32, i32) {
    %c0_i32 = arith.constant 0 : i32
    %c0_i32_0 = arith.constant 0 : i32
    return %arg0, %arg1, %c0_i32 : i32, i32, i32
  }
}

</mosaic_0001>

<sc_bundles>
// kernel: gather_offload_async_start
scs
__scs_entry_jumppad:
0x0: {  	(pc) =	sbr.rel $0x88, $3  }
0x1: {  	(tag) =	ssettag $0x0;
	lr =	simm.s32 $0x1  }
0x2: {  	[smem:$0x3F9A] =	sst lr;
	_ =	strace $0xD0000000  }
0x3: {  	_ = 	snop  }
0x4: {  	_ = 	snop  }
0x5: {  	_ = 	snop  }
0x6: {  	_ = 	snop  }
0x7: {  	_ = 	snop  }
__scs_overlays_trampoline_lowered:
0x8: {  	[smem:$0x3FA9] =	sst s0  }
0x9: {  	[smem:$0x3FAA] =	sst s1  }
0xa: {  	[smem:$0x3FAB] =	sst s2  }
0xb: {  	[smem:$0x3FAC] =	sst s3  }
0xc: {  	[smem:$0x3FAD] =	sst s4  }
0xd: {  	[smem:$0x3FAE] =	sst s5  }
0xe: {  	[smem:$0x3FAF] =	sst s6  }
0xf: {  	[smem:$0x3FB0] =	sst s7  }
0x10: {  	[smem:$0x3FB1] =	sst s8  }
0x11: {  	[smem:$0x3FB2] =	sst s9;
	s0 =	simm.s32 @!p0 $0x0  }
0x12: {  	s1 =	sld [smem:$0x3F98];
	s0 =	simm.s32 @p0 $0x1  }
0x13: {  	[smem:$0x3FB3] =	sst s0;
	s0 =	simm.s32 @!p1 $0x0  }
0x14: {  	s2 =	sld [smem:$0x3F97];
	s0 =	simm.s32 @p1 $0x1  }
0x15: {  	[smem:$0x3FB4] =	sst s0;
	s0 =	simm.s32 @!p2 $0x0  }
0x16: {  	s3 =	sld [smem:$0x3FDB];
	s0 =	simm.s32 @p2 $0x1  }
0x17: {  	s4 =	simm.s32 $0x1BF5;
	[smem:$0x3FB6] =	sst s0  }
0x18: {  	s0 =	sld [smem:$0x3F99];
	_ =	swait.ge [sflag:s4], $0x0  }
0x19: {  	s7 =	sld [smem:$0x3F9A]  }
0x1a: {  	s8 =	sadd.s32 $0xFFFFE003, lr  }
0x1b: {  	s9 =	sadd.s32 $0xFFFFFEF7, lr;
	s5 =	simm.s32 $0xFFFFFFFF;
	p2 =	slt.u32 s8, $0xFFFFF086  }
0x1c: {  	p1 =	slt.u32 s9, $0xF7A;
	s5 =	simm.s32 @!p2 $0x0  }
0x1d: {  	s5 =	simm.s32 @p1 $0x1;
	p0 =	seq.s32 s7, s2  }
0x1e: {  	s7 =	smul.u32 @!p0 $0xF7A, s2;
	p2 =	seq.s32 @!p0 s5, $0x0  }
0x1f: {  	s9 =	smul.u32 $0xF7A, s1;
	s8 =	simm.s32 @!p0 $0x1BF5;
	p2 =	por !p2, p0  }
0x20: {  	[sflag:s8] =	ssyncset.s32 @!p0 $0xFFFFF086;
	s6 =	sadd.s32 @!p0 s3, s7;
	s7 =	simm.s32 @!p0 $0x108  }
0x21: {  	s3 =	sadd.s32 s3, s9;
	s6 =	sadd.s32 @!p0 $0x88, s6;
	s7 =	simm.s32 @p2 $0x1082  }
0x22: {  	[simem:s7], [sflag:s8] =	dma.local @!p0 [hbm:s6], $0xF7A  }
0x23: {  	s9 =	sor.u32 $0xD0000000, s2;
	s6 =	simm.s32 $0x108;
	_ =	swait.ge @!p0 [sflag:s8], $0x0  }
0x24: {  	s3 =	sadd.s32 $0x88, s3;
	s6 =	simm.s32 @!p1 $0x1082;
	[sflag:s4] =	ssyncset.s32 $0xFFFFF086  }
0x25: {  	[simem:s6], [sflag:s4] =	dma.local [hbm:s3], $0xF7A  }
0x26: {  	[smem:$0x3F9A] =	sst s1;
	(tag) =	ssettag s2;
	_ =	strace s9  }
0x27: {  	s1 =	sld [smem:$0x3FAA]  }
0x28: {  	s2 =	sld [smem:$0x3FAB]  }
0x29: {  	s4 =	sld [smem:$0x3FAD]  }
0x2a: {  	p0 =	seq.s32 s5, $0x0;
	s5 =	sld [smem:$0x3FAE]  }
0x2b: {  	s6 =	sld [smem:$0x3FAF]  }
0x2c: {  	s7 =	sld [smem:$0x3FB0]  }
0x2d: {  	s3 =	simm.s32 $0x108;
	s8 =	sld [smem:$0x3FB1]  }
0x2e: {  	s3 =	simm.s32 @!p0 $0x1082;
	s9 =	sld [smem:$0x3FB2]  }
0x2f: {  	lr =	sadd.s32 s0, s3;
	s0 =	sld [smem:$0x3FA9]  }
0x30: {  	s3 =	sld [smem:$0x3FAC]  }
0x31: {  	[smem:$0x3FB5] =	sst s10  }
0x32: {  	s10 =	sld [smem:$0x3FB3];
	_ =	sdelay $0x3  }
0x33: {  	p0 =	seq.s32 s10, $0x1;
	s10 =	sld [smem:$0x3FB5];
	_ =	sdelay $0x3  }
0x34: {  	[smem:$0x3FB5] =	sst s10  }
0x35: {  	s10 =	sld [smem:$0x3FB4];
	_ =	sdelay $0x3  }
0x36: {  	p1 =	seq.s32 s10, $0x1;
	s10 =	sld [smem:$0x3FB5];
	_ =	sdelay $0x3  }
0x37: {  	[smem:$0x3FB5] =	sst s10  }
0x38: {  	s10 =	sld [smem:$0x3FB6]  }
0x39: {  	_ = 	snop;
	(pc) =	sbr.ind lr, $3  }
0x3a: {  	_ = 	snop  }
0x3b: {  	_ = 	snop  }
0x3c: {  	p2 =	seq.s32 s10, $0x1;
	s10 =	sld [smem:$0x3FB5]  }
0x3d: {  	_ =	shalt  }
0x3e: {  	_ =	shalt  }
0x3f: {  	_ =	shalt  }
0x40: {  	_ =	shalt  }
0x41: {  	_ =	shalt  }
0x42: {  	_ =	shalt  }
0x43: {  	_ =	shalt  }
0x44: {  	_ =	shalt  }
0x45: {  	_ =	shalt  }
0x46: {  	_ =	shalt  }
0x47: {  	_ =	shalt  }
0x48: {  	_ =	shalt  }
0x49: {  	_ =	shalt  }
0x4a: {  	_ =	shalt  }
0x4b: {  	_ =	shalt  }
0x4c: {  	_ =	shalt  }
0x4d: {  	_ =	shalt  }
0x4e: {  	_ =	shalt  }
0x4f: {  	_ =	shalt  }
0x50: {  	_ =	shalt  }
0x51: {  	_ =	shalt  }
0x52: {  	_ =	shalt  }
0x53: {  	_ =	shalt  }
0x54: {  	_ =	shalt  }
0x55: {  	_ =	shalt  }
0x56: {  	_ =	shalt  }
0x57: {  	_ =	shalt  }
0x58: {  	_ =	shalt  }
0x59: {  	_ =	shalt  }
0x5a: {  	_ =	shalt  }
0x5b: {  	_ =	shalt  }
0x5c: {  	_ =	shalt  }
0x5d: {  	_ =	shalt  }
0x5e: {  	_ =	shalt  }
0x5f: {  	_ =	shalt  }
0x60: {  	_ =	shalt  }
0x61: {  	_ =	shalt  }
0x62: {  	_ =	shalt  }
0x63: {  	_ =	shalt  }
0x64: {  	_ =	shalt  }
0x65: {  	_ =	shalt  }
0x66: {  	_ =	shalt  }
0x67: {  	_ =	shalt  }
0x68: {  	_ =	shalt  }
0x69: {  	_ =	shalt  }
0x6a: {  	_ =	shalt  }
0x6b: {  	_ =	shalt  }
0x6c: {  	_ =	shalt  }
0x6d: {  	_ =	shalt  }
0x6e: {  	_ =	shalt  }
0x6f: {  	_ =	shalt  }
0x70: {  	_ =	shalt  }
0x71: {  	_ =	shalt  }
0x72: {  	_ =	shalt  }
0x73: {  	_ =	shalt  }
0x74: {  	_ =	shalt  }
0x75: {  	_ =	shalt  }
0x76: {  	_ =	shalt  }
0x77: {  	_ =	shalt  }
0x78: {  	_ =	shalt  }
0x79: {  	_ =	shalt  }
0x7a: {  	_ =	shalt  }
0x7b: {  	_ =	shalt  }
0x7c: {  	_ =	shalt  }
0x7d: {  	_ =	shalt  }
0x7e: {  	_ =	shalt  }
0x7f: {  	_ =	shalt  }
0x80: {  	_ =	shalt  }
0x81: {  	_ =	shalt  }
0x82: {  	_ =	shalt  }
0x83: {  	_ =	shalt  }
0x84: {  	_ =	shalt  }
0x85: {  	_ =	shalt  }
0x86: {  	_ =	shalt  }
0x87: {  	_ =	shalt  }
.Lfunc_end0:
.L_simem_size_0:
called_computation.1_lowered:
.L_overlay_start_0:
0x88: {  	s2 =	sld [smem:$0x3FD9]  }
0x89: {  	s3 =	sld [smem:$0x3FFE];
	_ =	sdelay $0x1  }
0x8a: {  	s1 =	srdreg.scid  }
0x8b: {  	s0 =	sand.u32 $0x1, s1  }
0x8c: {  	s14 =	sshll.u32 s0, $0xA;
	s2 =	sadd.s32 s3, s2  }
0x8d: {  	s2 =	sadd.s32 s2, s14  }
0x8e: {  	[smem:$0x3FC1] =	sst s2  }
0x8f: {  	_ = 	snop  }
0x90: {  	s2 =	sld [smem:$0x3FD0];
	_ =	sdelay $0x2  }
0x91: {  	s15 =	simm.s32 $0xA;
	s4 =	simm.s32 $0x10  }
0x92: {  	[smem:s4], [sflag:s15] =	dma.local [hbm:s2], $0x1  }
0x93: {  	_ =	swait.eq [sflag:s15], $0x1  }
0x94: {  	[sflag:s15] =	ssyncset.done $0x0  }
0x95: {  	s16 =	sld [smem:$0x11];
	[sflag:s15] =	ssyncadd.s32 $0xFFFFFFFF  }
0x96: {  	s17 =	sld [smem:$0x12];
	(tm) =	ssettm $0x1  }
0x97: {  	s18 =	sld [smem:$0x3FFB];
	_ =	sdelay $0x3  }
0x98: {  	_ =	strace s18  }
0x99: {  	s4 =	sld [smem:$0x3FFC];
	_ =	sdelay $0x3  }
0x9a: {  	_ =	strace s4  }
0x9b: {  	s4 =	sld [smem:$0x3FFD];
	_ =	sdelay $0x3  }
0x9c: {  	_ =	strace s4  }
0x9d: {  	_ =	strace $0x8FFFFFFF  }
0x9e: {  	s19 =	sld [smem:$0x3FDB];
	_ =	sdelay $0x1  }
0x9f: {  	s5 =	simm.s32 $_scs_section_size  }
0xa0: {  	s6 =	simm.s32 $_size__tile_overlayer_lowered;
	s7 =	simm.s32 $_tile_overlayer_lowered  }
0xa1: {  	s22 =	simm.s32 $0x1BFF;
	s21 =	sshll.u32 s7, $0x1;
	s4 =	sadd.s32 s5, s19  }
0xa2: {  	s8 =	simm.s32 $0x0;
	s20 =	sshll.u32 s6, $0x1;
	s6 =	sadd.s32 s21, s4  }
0xa3: {  	[timem:s8], [sflag:s22] =	dma.local [hbm:s6], s20  }
0xa4: {  	_ =	swait.ge [sflag:s22], s20  }
0xa5: {  	s5 =	ssub.s32 $0x0, s20;
	[sflag:s22] =	ssyncset.done $0x0  }
0xa6: {  	[sflag:s22] =	ssyncadd.s32 s5;
	_ =	sdelay $0x1  }
0xa7: {  	s23 =	simm.s32 $0x1B8B  }
0xa8: {  	_ =	swait.ge [sflag:s23], $0x1  }
0xa9: {  	[sflag:s23] =	ssyncset.done $0x0  }
0xaa: {  	s25 =	simm.s32 $0x1B8E;
	s24 =	sld [smem:$0x3FFE];
	[sflag:s23] =	ssyncadd.s32 $0xFFFFFFFF  }
0xab: {  	s26 =	simm.s32 $execute0_lowered;
	[smem:$0x3FD2] =	sst s25  }
0xac: {  	s6 =	sshll.u32 s26, $0x1;
	_ =	strace $0x80000046;
	[dreg:$0x1] =	wrdreg $0xFFFFFFFF  }
0xad: {  	s28 =	simm.s32 $_size_execute0_lowered;
	s4 =	sadd.s32 s4, s6;
	[dreg:$0x0] =	wrdreg $0x0  }
0xae: {  	s6 =	sshll.u32 s28, $0x1;
	[dreg:$0x2] =	wrdreg s4  }
0xaf: {  	[dreg:$0x3] =	wrdreg s6  }
0xb0: {  	[dreg:$0x4] =	wrdreg $0xC0  }
0xb1: {  	_ =	task [dreg:s8], $0x5FFFF  }
0xb2: {  	[dreg:$0x1] =	wrdreg $0xFFFFFFFF  }
0xb3: {  	[dreg:$0x0] =	wrdreg $0x60  }
0xb4: {  	[dreg:$0x2] =	wrdreg s24  }
0xb5: {  	[dreg:$0x3] =	wrdreg s16  }
0xb6: {  	[dreg:$0x4] =	wrdreg s17  }
0xb7: {  	[dreg:$0x5] =	wrdreg $0x9  }
0xb8: {  	_ =	task.clear_ibuf [dreg:s8], $0x6FFFF;
	_ =	strace $0x90000046  }
0xb9: {  	s29 =	simm.s32 $0x9;
	_ =	strace $0x80000048  }
0xba: {  	_ =	swait.ge [sflag:s29], $0x1  }
0xbb: {  	[sflag:s29] =	ssyncadd.s32 $0xFFFFFFFF  }
0xbc: {  	_ =	strace $0x90000048  }
0xbd: {  	_ =	sfence  }
0xbe: {  	s30 =	sld [smem:$0x0];
	_ =	sdelay $0x2  }
0xbf: {  	s31 =	sshll.u32 s1, $0xD;
	s1 =	sshrl.u32 s1, $0x2  }
0xc0: {  	s3 =	sand.u32 $0x4000, s31;
	s1 =	sadd.s32 s1, s30  }
0xc1: {  	s0 =	sor.u32 s3, s0;
	s1 =	sshll.u32 s1, $0x11  }
0xc2: {  	s0 =	sor.u32 s1, s0  }
0xc3: {  	s0 =	sadd.s32 $0x8F2B, s0  }
0xc4: {  	[sflag:s0] =	ssyncadd.remote.s32 $0x1  }
0xc5: {  	_ =	sfence.sel $0xFFFF  }
0xc6: {  	[dreg:$0x0] =	wrdreg $0xFFFFFFFF;
	(pc) =	sbr.abs _section_cstart, $3  }
0xc7: {  	[dreg:$0x1] =	wrdreg $0xFFFFFFFF  }
0xc8: {  	_ =	task.clear_ibuf [dreg:s8], $0x2FFFF;
	_ =	strace $0x9FFFFFFF  }
0xc9: {  	(tm) =	ssettm $0x7FFFFFFF  }
tec
execute0_lowered:
.L_overlay_start_1:
0x0: {  	(tag) =	ssettag $0x1  }
0x1: {  	s5 =	rddreg [dreg:$0x0]  }
0x2: {  	s1 =	srdreg.scid;
	s2 =	rddreg [dreg:$0x1]  }
0x3: {  	s0 =	stileid.u32;
	s3 =	rddreg [dreg:$0x2]  }
0x4: {  	s9 =	simm.s32 $0x1;
	s10 =	simm.s32 $0x3;
	s1 =	sshll.u32 s1, $0x7  }
0x5: {  	s13 =	simm.s32 $0x0;
	s4 =	sshll.u32 s0, $0x8;
	s6 =	sand.u32 $0x80, s1  }
0x6: {  	s12 =	simm.s32 $0x0;
	s5 =	sadd.s32 $0xC000, s5;
	s4 =	sor.u32 s4, s6  }
0x7: {  	s1 =	rddreg [dreg:$0x3];
	_ =	strace $0x80000047;
	s8 =	ssub.s32 $0x1800, s4  }
.Ltmp0:
0x8: {  	s6 =	simm.s32 $0x1;
	s7 =	sand.u32 $0xF80, s8;
	(pc) =	sbr.rel .LBB2_1-.Ltmp0, $4  }
0x9: {  	[sflag:s6] =	ssyncpa.u1 $0x0;
	s11 =	smov.u32 s4;
	p0 =	sne.s32 s7, $0x0  }
0xa: {  	s8 =	sshrl.u32 s8, $0xC;
	s7 =	simm.s32 $0x2;
	s9 =	simm.s32 @!p0 $0x0  }
0xb: {  	[sflag:s7] =	ssyncpa.u1 $0x0;
	p0 =	por $0x0, $0x0;
	s8 =	sadd.s32 s9, s8  }
0xc: {  	vm0 =	vmmov $0xffff;
	[sflag:s10] =	ssyncpa.u1 $0x0;
	s10 =	simm.s32 $0x0;
	s9 =	sadd.s32 $0x1, s8  }
.LBB2_4:
0xd: {  	v2 =	vand.u32 $0x3, v2;
	v3 =	vshrl.u32 v0, $0x5;
	v63 =	vshll.u32 v0, $0x10  }
0xe: {  	v2 =	vsel vm1, $0xFFFFFFFF, v2;
	v3 =	vand.u32 $0x3FFF, v3;
	v0 =	vand.u32 $0x70000, v63  }
0xf: {  	v3 =	vsel vm1, $0xFFFFFFFF, v3;
	v0 =	vsel vm1, $0xFFFF0000, v0;
	v4 =	vand.u32 $0xFFFF0000, v2  }
0x10: {  	v5 =	vand.u32 $0x7F, v3;
	v0 =	vadd.s32 v0, v4;
	v3 =	vshll.u32 v3, $0x2  }
0x11: {  	v2 =	vshll.u32 v2, $0x7;
	v3 =	vand.u32 $0xFFFFFE00, v3;
	v0 =	vor.u32 v5, v0  }
0x12: {  	v2 =	vand.u32 $0x180, v2;
	v0 =	vadd.s32 v3, v0  }
0x13: {  	v0 =	vor.u32 v2, v0;
	_ =	sdelay $0x1  }
0x14: {  	(ifvalue) =	ssetifvalue $0x7FFFFFFF;
	s14 =	sadd.s32 $0x10, s14  }
0x15: {  	[tilespmem:s14], [sflag:$0x1] =	stream.indirect_vreg.gather [hbm4b:s5+s10], $0x1, v1, vm0, $0x4038;
	[tilespmem:$0x200] =	vst v63  }
0x16: {  	(ifvalue) =	ssetifvalue $0x7FFFFFFF;
	s14 =	sadd.s32 $0x10, s14  }
0x17: {  	[tilespmem:s14], [sflag:$0x1] =	stream.indirect_vreg.gather [hbm4b:s5+s10], $0x1, v0, vm0, $0x4038;
	[tilespmem:$0x200] =	vst v63  }
0x18: {  	_ =	swait.ge [sflag:s6], $0x80  }
0x19: {  	s30 =	sshrl.u32 s13, $0x3;
	[sflag:s6] =	ssyncset.done $0x0  }
0x1a: {  	s31 =	sand.u32 $0x7, s13;
	s14 =	sadd.s32 s3, s30;
	[sflag:s6] =	ssyncadd.s32 $0xFFFFFF80  }
0x1b: {  	[hbm4b:s14+s31] =	stream.linear.scatter [tilespmem:s15], [sflag:$0x3], $0x80, $0x38;
	[tilespmem:$0x200] =	vst v63  }
.LBB2_5:
0x1c: {  	s15 =	sadd.s32 $0x1000, s11  }
0x1d: {  	p2 =	sgt.s32 s15, $0x17FF  }
0x1e: {  	s15 =	smov.u32 @p2 s4;
	p2 =	sne.s32 s12, s9  }
.Ltmp1:
0x1f: {  	p1 =	slt.u32 s12, $0x2;
	(pc) =	sbr.rel @!p2 .LBB2_6-.Ltmp1, $4  }
0x20: {  	s14 =	simm.s32 @!p1 $0x3  }
0x21: {  	s16 =	sadd.s32 $0x1, s12;
	_ =	swait.ge @!p1 [sflag:s14], $0x80  }
0x22: {  	s13 =	smov.u32 s11;
	p0 =	por !p0, !p0;
	[sflag:s14] =	ssyncset.done @!p1 $0x0  }
0x23: {  	s12 =	smov.u32 s16;
	s11 =	smov.u32 s15;
	[sflag:s14] =	ssyncadd.s32 @!p1 $0xFFFFFF80  }
.LBB2_1:
0x24: {  	p1 =	sge.u32 s12, s8  }
0x25: {  	s14 =	sxor.u32 @!p1 $0xFFFFFFFF, s12  }
0x26: {  	s31 =	sadd.s32 $0xFFFFFFFF, s12;
	s15 =	sshrl.u32 @!p1 s11, $0x3;
	s14 =	sshll.u32 @!p1 s14, $0x7  }
0x27: {  	s16 =	sand.u32 @!p1 $0x7, s11;
	s15 =	sadd.s32 @!p1 s2, s15;
	s14 =	sand.u32 @!p1 $0x80, s14  }
0x28: {  	[tilespmem:s14], [sflag:$0x2] =	stream.linear.gather @!p1 [hbm4b:s15+s16], $0x80, $0x38;
	[tilespmem:$0x200] =	vst v63  }
0x29: {  	p1 =	sge.u32 s31, s8  }
.Ltmp2:
0x2a: {  	_ = 	snop;
	(pc) =	sbr.rel @p1 .LBB2_5-.Ltmp2, $1  }
0x2b: {  	_ =	sdelay $0x3  }
0x2c: {  	s14 =	simm.s32 $0x1  }
0x2d: {  	_ =	swait.ge [sflag:s7], $0x80;
	s14 =	simm.s32 @!p0 $0x0  }
0x2e: {  	[sflag:s7] =	ssyncset.done $0x0;
	s14 =	sshll.u32 s14, $0x7  }
0x2f: {  	[sflag:s7] =	ssyncadd.s32 $0xFFFFFF80;
	(ifvalue) =	ssetifvalue $0x7FFFFFFF;
	v0 =	vld.msk [tilespmem:s14+$0x0 ss:$0x1], $0xffff;
	_ =	sdelay $0x1  }
0x30: {  	s15 =	sadd.s32 $0x10, s14  }
0x31: {  	v3 =	vld.msk [tilespmem:s15+$0x0 ss:$0x1], $0xffff;
	_ =	sdelay $0x1  }
0x32: {  	vm1 =	veq.s32 v0, $0x80000000  }
0x33: {  	v1 =	vshrl.u32 v0, $0x3;
	v2 =	vshrl.u32 v0, $0x5;
	v0 =	vshll.u32 v0, $0x10  }
0x34: {  	v1 =	vand.u32 $0x3, v1;
	v2 =	vand.u32 $0x3FFF, v2;
	v0 =	vand.u32 $0x70000, v0  }
0x35: {  	v62 =	vshrl.u32 v3, $0x5;
	v1 =	vsel vm1, $0xFFFFFFFF, v1;
	v2 =	vsel vm1, $0xFFFFFFFF, v2  }
0x36: {  	v0 =	vsel vm1, $0xFFFF0000, v0;
	vm1 =	veq.s32 v3, $0x80000000;
	v4 =	vand.u32 $0xFFFF0000, v1  }
0x37: {  	v5 =	vand.u32 $0x7F, v2;
	v2 =	vshll.u32 v2, $0x2;
	v0 =	vadd.s32 v0, v4  }
0x38: {  	v1 =	vshll.u32 v1, $0x7;
	v2 =	vand.u32 $0xFFFFFE00, v2;
	v0 =	vor.u32 v5, v0  }
0x39: {  	v1 =	vand.u32 $0x180, v1;
	v0 =	vadd.s32 v2, v0;
	v2 =	vshrl.u32 v3, $0x3  }
0x3a: {  	s17 =	sadd.s32 $0x10, s15;
	v3 =	vshll.u32 v3, $0x10;
	v1 =	vor.u32 v1, v0;
	v2 =	vand.u32 $0x3, v2  }
0x3b: {  	v4 =	vand.u32 $0x3FFF, v62;
	v0 =	vld.msk [tilespmem:s17+$0x0 ss:$0x1], $0xffff;
	v3 =	vand.u32 $0x70000, v3;
	v2 =	vsel vm1, $0xFFFFFFFF, v2  }
0x3c: {  	v4 =	vsel vm1, $0xFFFFFFFF, v4;
	v3 =	vsel vm1, $0xFFFF0000, v3;
	v63 =	vand.u32 $0xFFFF0000, v2  }
0x3d: {  	s31 =	sshll.u32 s12, $0x7;
	v6 =	vand.u32 $0x7F, v4;
	v4 =	vshll.u32 v4, $0x2;
	v3 =	vadd.s32 v3, v63  }
0x3e: {  	s14 =	sor.u32 $0x100, s14;
	s15 =	sand.u32 $0x80, s31;
	(ifvalue) =	ssetifvalue $0x7FFFFFFF;
	v4 =	vand.u32 $0xFFFFFE00, v4;
	v2 =	vshll.u32 v2, $0x7;
	v3 =	vor.u32 v6, v3  }
0x3f: {  	[tilespmem:s14], [sflag:$0x1] =	stream.indirect_vreg.gather [hbm4b:s5+s10], $0x1, v1, vm0, $0x4038;
	v1 =	vand.u32 $0x180, v2;
	v3 =	vadd.s32 v4, v3;
	[tilespmem:$0x200] =	vst v63  }
0x40: {  	s16 =	simm.s32 $0x20;
	s15 =	sor.u32 $0x100, s15;
	s17 =	sadd.s32 $0x10, s17;
	vm1 =	veq.s32 v0, $0x80000000;
	v2 =	vshrl.u32 v0, $0x3;
	v1 =	vor.u32 v1, v3  }
.LBB2_3:
0x41: {  	s16 =	sadd.s32 $0x10, s16;
	v2 =	vand.u32 $0x3, v2;
	v3 =	vshrl.u32 v0, $0x5;
	v4 =	vshll.u32 v0, $0x10;
	v0 =	vld.msk [tilespmem:s17+$0x0 ss:$0x1], $0xffff  }
0x42: {  	p1 =	slt.u32 s16, $0x70;
	v2 =	vsel vm1, $0xFFFFFFFF, v2;
	v3 =	vand.u32 $0x3FFF, v3;
	v4 =	vand.u32 $0x70000, v4  }
.Ltmp3:
0x43: {  	v3 =	vsel vm1, $0xFFFFFFFF, v3;
	v4 =	vsel vm1, $0xFFFF0000, v4;
	v5 =	vand.u32 $0xFFFF0000, v2;
	(pc) =	sbr.rel @p1 .LBB2_3-.Ltmp3, $4  }
0x44: {  	s14 =	sadd.s32 $0x10, s14;
	v6 =	vand.u32 $0x7F, v3;
	v4 =	vadd.s32 v4, v5;
	v3 =	vshll.u32 v3, $0x2;
	(ifvalue) =	ssetifvalue $0x7FFFFFFF  }
0x45: {  	v2 =	vshll.u32 v2, $0x7;
	v3 =	vand.u32 $0xFFFFFE00, v3;
	v4 =	vor.u32 v6, v4;
	[tilespmem:s14], [sflag:$0x1] =	stream.indirect_vreg.gather [hbm4b:s5+s10], $0x1, v1, vm0, $0x4038;
	[tilespmem:$0x200] =	vst v63  }
0x46: {  	v1 =	vand.u32 $0x180, v2;
	v3 =	vadd.s32 v3, v4  }
0x47: {  	s17 =	sadd.s32 $0x10, s17;
	vm1 =	veq.s32 v0, $0x80000000;
	v2 =	vshrl.u32 v0, $0x3;
	v1 =	vor.u32 v1, v3  }
.Ltmp4:
0x48: {  	_ = 	snop;
	(pc) =	sbr.rel .LBB2_4-.Ltmp4, $1  }
0x49: {  	_ =	sdelay $0x3  }
.LBB2_6:
0x4a: {  	_ =	sfence.sel $0x180000  }
0x4b: {  	s2 =	simm.s32 $0x2;
	[bflag:$0x0] =	sbarrier.arrive $0xFFFF  }
0x4c: {  	s30 =	simm.s32 $0x3;
	[sflag:s2] =	ssyncpa.u1 $0x1  }
0x4d: {  	s31 =	simm.s32 $0x1;
	[sflag:s30] =	ssyncpa.u1 $0x1  }
0x4e: {  	[sflag:s31] =	ssyncpa.u1 $0x1  }
0x4f: {  	p0 =	sne.s32 s0, $0x0;
	_ =	strace $0x90000047  }
0x50: {  	s0 =	sadd.s32 @!p0 $0x100000, s1;
	[bflag:$0x2] =	sbarrier.arrive $0xFFFF  }
0x51: {  	[sflag:s0] =	ssyncadd.tile.s32 @!p0 $0x1;
	_ =	shalt  }
.Lfunc_end2:
_tile_overlayer_lowered:
.L_overlay_start_2:
0x52: {  	(tag) =	ssettag $0x2  }
0x53: {  	s0 =	rddreg [dreg:$0x0];
	s2 =	stileid.u32  }
0x54: {  	s1 =	rddreg [dreg:$0x1];
	p0 =	sne.s32 s2, $0x0  }
0x55: {  	s3 =	rddreg [dreg:$0x2];
	[bflag:$0x3] =	sbarrier.arrive $0xFFFF;
	s2 =	simm.s32 @!p0 $0x1C01  }
0x56: {  	[timem:s3], [sflag:s2] =	dma.local @!p0 [hbm:s0], s1  }
0x57: {  	s0 =	simm.s32 @!p0 $0x1  }
0x58: {  	_ =	swait.ge @!p0 [sflag:s0], s1  }
0x59: {  	s1 =	ssub.s32 @!p0 $0x0, s1;
	[sflag:s0] =	ssyncset.done @!p0 $0x0  }
0x5a: {  	[sflag:s0] =	ssyncadd.s32 @!p0 s1  }
0x5b: {  	[bflag:$0x3] =	sbarrier.arrive $0xFFFF  }
0x5c: {  	_ =	shalt  }

// kernel: kernel.5.cloned.1.call-start
scs
__scs_entry_jumppad:
0x0: {  	(pc) =	sbr.rel $0x88, $3  }
0x1: {  	(tag) =	ssettag $0x0;
	lr =	simm.s32 $0x1  }
0x2: {  	[smem:$0x3F9A] =	sst lr;
	_ =	strace $0xD0000000  }
0x3: {  	_ = 	snop  }
0x4: {  	_ = 	snop  }
0x5: {  	_ = 	snop  }
0x6: {  	_ = 	snop  }
0x7: {  	_ = 	snop  }
__scs_overlays_trampoline_lowered:
0x8: {  	[smem:$0x3FA9] =	sst s0  }
0x9: {  	[smem:$0x3FAA] =	sst s1  }
0xa: {  	[smem:$0x3FAB] =	sst s2  }
0xb: {  	[smem:$0x3FAC] =	sst s3  }
0xc: {  	[smem:$0x3FAD] =	sst s4  }
0xd: {  	[smem:$0x3FAE] =	sst s5  }
0xe: {  	[smem:$0x3FAF] =	sst s6  }
0xf: {  	[smem:$0x3FB0] =	sst s7  }
0x10: {  	[smem:$0x3FB1] =	sst s8  }
0x11: {  	[smem:$0x3FB2] =	sst s9;
	s0 =	simm.s32 @!p0 $0x0  }
0x12: {  	s1 =	sld [smem:$0x3F98];
	s0 =	simm.s32 @p0 $0x1  }
0x13: {  	[smem:$0x3FB3] =	sst s0;
	s0 =	simm.s32 @!p1 $0x0  }
0x14: {  	s2 =	sld [smem:$0x3F97];
	s0 =	simm.s32 @p1 $0x1  }
0x15: {  	[smem:$0x3FB4] =	sst s0;
	s0 =	simm.s32 @!p2 $0x0  }
0x16: {  	s3 =	sld [smem:$0x3FDB];
	s0 =	simm.s32 @p2 $0x1  }
0x17: {  	s4 =	simm.s32 $0x1BF5;
	[smem:$0x3FB6] =	sst s0  }
0x18: {  	s0 =	sld [smem:$0x3F99];
	_ =	swait.ge [sflag:s4], $0x0  }
0x19: {  	s7 =	sld [smem:$0x3F9A]  }
0x1a: {  	s8 =	sadd.s32 $0xFFFFE003, lr  }
0x1b: {  	s9 =	sadd.s32 $0xFFFFFEF7, lr;
	s5 =	simm.s32 $0xFFFFFFFF;
	p2 =	slt.u32 s8, $0xFFFFF086  }
0x1c: {  	p1 =	slt.u32 s9, $0xF7A;
	s5 =	simm.s32 @!p2 $0x0  }
0x1d: {  	s5 =	simm.s32 @p1 $0x1;
	p0 =	seq.s32 s7, s2  }
0x1e: {  	s7 =	smul.u32 @!p0 $0xF7A, s2;
	p2 =	seq.s32 @!p0 s5, $0x0  }
0x1f: {  	s9 =	smul.u32 $0xF7A, s1;
	s8 =	simm.s32 @!p0 $0x1BF5;
	p2 =	por !p2, p0  }
0x20: {  	[sflag:s8] =	ssyncset.s32 @!p0 $0xFFFFF086;
	s6 =	sadd.s32 @!p0 s3, s7;
	s7 =	simm.s32 @!p0 $0x108  }
0x21: {  	s3 =	sadd.s32 s3, s9;
	s6 =	sadd.s32 @!p0 $0x88, s6;
	s7 =	simm.s32 @p2 $0x1082  }
0x22: {  	[simem:s7], [sflag:s8] =	dma.local @!p0 [hbm:s6], $0xF7A  }
0x23: {  	s9 =	sor.u32 $0xD0000000, s2;
	s6 =	simm.s32 $0x108;
	_ =	swait.ge @!p0 [sflag:s8], $0x0  }
0x24: {  	s3 =	sadd.s32 $0x88, s3;
	s6 =	simm.s32 @!p1 $0x1082;
	[sflag:s4] =	ssyncset.s32 $0xFFFFF086  }
0x25: {  	[simem:s6], [sflag:s4] =	dma.local [hbm:s3], $0xF7A  }
0x26: {  	[smem:$0x3F9A] =	sst s1;
	(tag) =	ssettag s2;
	_ =	strace s9  }
0x27: {  	s1 =	sld [smem:$0x3FAA]  }
0x28: {  	s2 =	sld [smem:$0x3FAB]  }
0x29: {  	s4 =	sld [smem:$0x3FAD]  }
0x2a: {  	p0 =	seq.s32 s5, $0x0;
	s5 =	sld [smem:$0x3FAE]  }
0x2b: {  	s6 =	sld [smem:$0x3FAF]  }
0x2c: {  	s7 =	sld [smem:$0x3FB0]  }
0x2d: {  	s3 =	simm.s32 $0x108;
	s8 =	sld [smem:$0x3FB1]  }
0x2e: {  	s3 =	simm.s32 @!p0 $0x1082;
	s9 =	sld [smem:$0x3FB2]  }
0x2f: {  	lr =	sadd.s32 s0, s3;
	s0 =	sld [smem:$0x3FA9]  }
0x30: {  	s3 =	sld [smem:$0x3FAC]  }
0x31: {  	[smem:$0x3FB5] =	sst s10  }
0x32: {  	s10 =	sld [smem:$0x3FB3];
	_ =	sdelay $0x3  }
0x33: {  	p0 =	seq.s32 s10, $0x1;
	s10 =	sld [smem:$0x3FB5];
	_ =	sdelay $0x3  }
0x34: {  	[smem:$0x3FB5] =	sst s10  }
0x35: {  	s10 =	sld [smem:$0x3FB4];
	_ =	sdelay $0x3  }
0x36: {  	p1 =	seq.s32 s10, $0x1;
	s10 =	sld [smem:$0x3FB5];
	_ =	sdelay $0x3  }
0x37: {  	[smem:$0x3FB5] =	sst s10  }
0x38: {  	s10 =	sld [smem:$0x3FB6]  }
0x39: {  	_ = 	snop;
	(pc) =	sbr.ind lr, $3  }
0x3a: {  	_ = 	snop  }
0x3b: {  	_ = 	snop  }
0x3c: {  	p2 =	seq.s32 s10, $0x1;
	s10 =	sld [smem:$0x3FB5]  }
0x3d: {  	_ =	shalt  }
0x3e: {  	_ =	shalt  }
0x3f: {  	_ =	shalt  }
0x40: {  	_ =	shalt  }
0x41: {  	_ =	shalt  }
0x42: {  	_ =	shalt  }
0x43: {  	_ =	shalt  }
0x44: {  	_ =	shalt  }
0x45: {  	_ =	shalt  }
0x46: {  	_ =	shalt  }
0x47: {  	_ =	shalt  }
0x48: {  	_ =	shalt  }
0x49: {  	_ =	shalt  }
0x4a: {  	_ =	shalt  }
0x4b: {  	_ =	shalt  }
0x4c: {  	_ =	shalt  }
0x4d: {  	_ =	shalt  }
0x4e: {  	_ =	shalt  }
0x4f: {  	_ =	shalt  }
0x50: {  	_ =	shalt  }
0x51: {  	_ =	shalt  }
0x52: {  	_ =	shalt  }
0x53: {  	_ =	shalt  }
0x54: {  	_ =	shalt  }
0x55: {  	_ =	shalt  }
0x56: {  	_ =	shalt  }
0x57: {  	_ =	shalt  }
0x58: {  	_ =	shalt  }
0x59: {  	_ =	shalt  }
0x5a: {  	_ =	shalt  }
0x5b: {  	_ =	shalt  }
0x5c: {  	_ =	shalt  }
0x5d: {  	_ =	shalt  }
0x5e: {  	_ =	shalt  }
0x5f: {  	_ =	shalt  }
0x60: {  	_ =	shalt  }
0x61: {  	_ =	shalt  }
0x62: {  	_ =	shalt  }
0x63: {  	_ =	shalt  }
0x64: {  	_ =	shalt  }
0x65: {  	_ =	shalt  }
0x66: {  	_ =	shalt  }
0x67: {  	_ =	shalt  }
0x68: {  	_ =	shalt  }
0x69: {  	_ =	shalt  }
0x6a: {  	_ =	shalt  }
0x6b: {  	_ =	shalt  }
0x6c: {  	_ =	shalt  }
0x6d: {  	_ =	shalt  }
0x6e: {  	_ =	shalt  }
0x6f: {  	_ =	shalt  }
0x70: {  	_ =	shalt  }
0x71: {  	_ =	shalt  }
0x72: {  	_ =	shalt  }
0x73: {  	_ =	shalt  }
0x74: {  	_ =	shalt  }
0x75: {  	_ =	shalt  }
0x76: {  	_ =	shalt  }
0x77: {  	_ =	shalt  }
0x78: {  	_ =	shalt  }
0x79: {  	_ =	shalt  }
0x7a: {  	_ =	shalt  }
0x7b: {  	_ =	shalt  }
0x7c: {  	_ =	shalt  }
0x7d: {  	_ =	shalt  }
0x7e: {  	_ =	shalt  }
0x7f: {  	_ =	shalt  }
0x80: {  	_ =	shalt  }
0x81: {  	_ =	shalt  }
0x82: {  	_ =	shalt  }
0x83: {  	_ =	shalt  }
0x84: {  	_ =	shalt  }
0x85: {  	_ =	shalt  }
0x86: {  	_ =	shalt  }
0x87: {  	_ =	shalt  }
.Lfunc_end0:
.L_simem_size_0:
called_computation.2_lowered:
.L_overlay_start_0:
0x88: {  	s2 =	sld [smem:$0x3FD9]  }
0x89: {  	s3 =	sld [smem:$0x3FFE];
	_ =	sdelay $0x1  }
0x8a: {  	s1 =	srdreg.scid  }
0x8b: {  	s0 =	sand.u32 $0x1, s1  }
0x8c: {  	s16 =	sshll.u32 s0, $0xA;
	s2 =	sadd.s32 s3, s2  }
0x8d: {  	s2 =	sadd.s32 s2, s16  }
0x8e: {  	[smem:$0x3FC1] =	sst s2  }
0x8f: {  	_ = 	snop  }
0x90: {  	(tm) =	ssettm $0x1  }
0x91: {  	s17 =	sld [smem:$0x3FFB];
	_ =	sdelay $0x3  }
0x92: {  	_ =	strace s17  }
0x93: {  	s2 =	sld [smem:$0x3FFC];
	_ =	sdelay $0x3  }
0x94: {  	_ =	strace s2  }
0x95: {  	s2 =	sld [smem:$0x3FFD];
	_ =	sdelay $0x3  }
0x96: {  	_ =	strace s2  }
0x97: {  	_ =	strace $0x8FFFFFFF  }
0x98: {  	s18 =	sld [smem:$0x3FDB];
	_ =	sdelay $0x1  }
0x99: {  	s19 =	simm.s32 $_scs_section_size  }
0x9a: {  	s4 =	simm.s32 $_size__tile_overlayer_lowered;
	s5 =	simm.s32 $_tile_overlayer_lowered  }
0x9b: {  	s22 =	simm.s32 $0x1BFF;
	s21 =	sshll.u32 s5, $0x1;
	s2 =	sadd.s32 s19, s18  }
0x9c: {  	s6 =	simm.s32 $0x0;
	s20 =	sshll.u32 s4, $0x1;
	s4 =	sadd.s32 s21, s2  }
0x9d: {  	[timem:s6], [sflag:s22] =	dma.local [hbm:s4], s20  }
0x9e: {  	_ =	swait.ge [sflag:s22], s20  }
0x9f: {  	s3 =	ssub.s32 $0x0, s20;
	[sflag:s22] =	ssyncset.done $0x0  }
0xa0: {  	[sflag:s22] =	ssyncadd.s32 s3;
	_ =	sdelay $0x1  }
0xa1: {  	s23 =	simm.s32 $0x1B8B  }
0xa2: {  	_ =	swait.ge [sflag:s23], $0x1  }
0xa3: {  	[sflag:s23] =	ssyncset.done $0x0  }
0xa4: {  	s25 =	simm.s32 $0x1B8E;
	s24 =	sld [smem:$0x3FFE];
	[sflag:s23] =	ssyncadd.s32 $0xFFFFFFFF  }
0xa5: {  	s26 =	simm.s32 $execute0_lowered;
	[smem:$0x3FD2] =	sst s25  }
0xa6: {  	s4 =	sshll.u32 s26, $0x1;
	_ =	strace $0x8000004C;
	[dreg:$0x1] =	wrdreg $0xFFFFFFFF  }
0xa7: {  	s28 =	simm.s32 $_size_execute0_lowered;
	s2 =	sadd.s32 s2, s4;
	[dreg:$0x0] =	wrdreg $0x0  }
0xa8: {  	s4 =	sshll.u32 s28, $0x1;
	[dreg:$0x2] =	wrdreg s2  }
0xa9: {  	[dreg:$0x3] =	wrdreg s4  }
0xaa: {  	[dreg:$0x4] =	wrdreg $0xC0  }
0xab: {  	_ =	task [dreg:s6], $0x5FFFF  }
0xac: {  	[dreg:$0x1] =	wrdreg $0xFFFFFFFF  }
0xad: {  	[dreg:$0x0] =	wrdreg $0x60  }
0xae: {  	[dreg:$0x2] =	wrdreg s24  }
0xaf: {  	[dreg:$0x3] =	wrdreg $0x9  }
0xb0: {  	_ =	task.clear_ibuf [dreg:s6], $0x4FFFF;
	_ =	strace $0x9000004C  }
0xb1: {  	s29 =	simm.s32 $0x9;
	_ =	strace $0x8000004E  }
0xb2: {  	_ =	swait.ge [sflag:s29], $0x1  }
0xb3: {  	[sflag:s29] =	ssyncadd.s32 $0xFFFFFFFF  }
0xb4: {  	_ =	strace $0x9000004E  }
0xb5: {  	_ =	sfence  }
0xb6: {  	s30 =	sld [smem:$0x0];
	_ =	sdelay $0x2  }
0xb7: {  	s31 =	sshll.u32 s1, $0xD;
	s1 =	sshrl.u32 s1, $0x2  }
0xb8: {  	s3 =	sand.u32 $0x4000, s31;
	s1 =	sadd.s32 s1, s30  }
0xb9: {  	s0 =	sor.u32 s3, s0;
	s1 =	sshll.u32 s1, $0x11  }
0xba: {  	s0 =	sor.u32 s1, s0  }
0xbb: {  	s0 =	sadd.s32 $0x8F2B, s0  }
0xbc: {  	[sflag:s0] =	ssyncadd.remote.s32 $0x1  }
0xbd: {  	_ =	sfence.sel $0xFFFF  }
0xbe: {  	[dreg:$0x0] =	wrdreg $0xFFFFFFFF;
	(pc) =	sbr.abs _section_cstart, $3  }
0xbf: {  	[dreg:$0x1] =	wrdreg $0xFFFFFFFF  }
0xc0: {  	_ =	task.clear_ibuf [dreg:s6], $0x2FFFF;
	_ =	strace $0x9FFFFFFF  }
0xc1: {  	(tm) =	ssettm $0x7FFFFFFF  }
tec
execute0_lowered:
.L_overlay_start_1:
0x0: {  	(tag) =	ssettag $0x1  }
0x1: {  	s4 =	rddreg [dreg:$0x0]  }
0x2: {  	s0 =	rddreg [dreg:$0x1]  }
0x3: {  	s3 =	srdreg.scid;
	s1 =	stileid.u32;
	s2 =	simm.s32 $0x0  }
0x4: {  	s11 =	simm.s32 $0x0;
	s5 =	sand.u32 $0x1, s3;
	s28 =	sshll.u32 s1, $0x1  }
0x5: {  	[smem:$0x7FF] =	sst s2;
	s7 =	smul.u32 $0xCE00, s1;
	s3 =	sor.u32 s5, s28  }
0x6: {  	_ =	strace $0x8000004D;
	s8 =	ssub.s32 $0x2, s5;
	s10 =	smul.u32 $0x6700, s5  }
0x7: {  	s6 =	smul.u32 $0x3380, s3;
	s3 =	sadd.s32 $0x814000, s4;
	s9 =	sshrl.u32 s8, $0x1  }
0x8: {  	s30 =	sadd.s32 s7, s4;
	s7 =	simm.s32 $0x2;
	s31 =	ssub.s32 s8, s9  }
0x9: {  	s8 =	simm.s32 $0x80;
	s9 =	simm.s32 $0x3380;
	s6 =	sshrl.u32 s6, $0x3  }
0xa: {  	s5 =	smax.u32 s31, $0x1;
	s29 =	sadd.s32 s6, s4;
	s6 =	sadd.s32 s10, s30  }
0xb: {  	s10 =	simm.s32 $0x1;
	s4 =	sadd.s32 $0x14000, s29;
	s6 =	sadd.s32 $0x20E00, s6  }
.LBB2_1:
0xc: {  	[tilespmem:s2], [sflag:$0x2] =	stream.linear.gather [hbm4b:s4+s2], $0x3380, $0x38;
	[tilespmem:$0x3B80] =	vst v63  }
0xd: {  	_ =	swait.ge [sflag:s7], $0x3380  }
0xe: {  	[sflag:s7] =	ssyncset.done $0x0  }
0xf: {  	[sflag:s7] =	ssyncadd.s32 $0xFFFFCC80  }
0x10: {  	[tilespmem:s9], [sflag:$0x1] =	stream.indirect.gather [hbm4b:s3+s8], $0x10, s2, s8, $0xb8;
	[tilespmem:$0x3B80] =	vst v63  }
0x11: {  	_ =	swait.ge [sflag:s10], $0x800  }
0x12: {  	[sflag:s10] =	ssyncset.done $0x0  }
0x13: {  	s12 =	sadd.s32 $0x0, s6;
	[sflag:s10] =	ssyncadd.s32 $0xFFFFF800  }
0x14: {  	[hbm4b:s12+s2] =	stream.linear.scatter [tilespmem:s9], [sflag:$0x2], $0x800, $0x38;
	[tilespmem:$0x3B80] =	vst v63  }
0x15: {  	_ =	swait.ge [sflag:s7], $0x800  }
0x16: {  	s13 =	simm.s32 $0x0;
	s12 =	simm.s32 $0x100;
	[sflag:s7] =	ssyncset.done $0x0  }
.LBB2_2:
0x17: {  	p0 =	sne.s32 s12, $0x6600;
	[sflag:s7] =	ssyncadd.s32 $0xFFFFF800;
	s13 =	sadd.s32 $0x80, s13  }
0x18: {  	[tilespmem:s9], [sflag:$0x1] =	stream.indirect.gather [hbm4b:s3+s8], $0x10, s13, s8, $0xb8;
	[tilespmem:$0x3B80] =	vst v63  }
0x19: {  	s14 =	smov.u32 s12;
	s12 =	sadd.s32 $0x100, s12;
	_ =	swait.ge [sflag:s10], $0x800  }
.Ltmp0:
0x1a: {  	[sflag:s10] =	ssyncset.done $0x0;
	(pc) =	sbr.rel @p0 .LBB2_2-.Ltmp0, $4  }
0x1b: {  	s14 =	sadd.s32 s14, s6;
	[sflag:s10] =	ssyncadd.s32 $0xFFFFF800  }
0x1c: {  	[hbm4b:s14+s2] =	stream.linear.scatter [tilespmem:s9], [sflag:$0x2], $0x800, $0x38;
	[tilespmem:$0x3B80] =	vst v63  }
0x1d: {  	_ =	swait.ge [sflag:s7], $0x800  }
0x1e: {  	[sflag:s7] =	ssyncset.done $0x0  }
0x1f: {  	s11 =	sadd.s32 $0x1, s11  }
0x20: {  	p0 =	sne.s32 s11, s5  }
.Ltmp1:
0x21: {  	_ = 	snop;
	(pc) =	sbr.rel @p0 .LBB2_1-.Ltmp1, $2  }
0x22: {  	_ =	sdelay $0x2  }
0x23: {  	[sflag:s7] =	ssyncadd.s32 $0xFFFFF800  }
0x24: {  	_ =	sfence.sel $0x180000  }
0x25: {  	[bflag:$0x0] =	sbarrier.arrive $0xFFFF  }
0x26: {  	p0 =	sne.s32 s1, $0x0;
	_ =	strace $0x9000004D  }
0x27: {  	s0 =	sadd.s32 @!p0 $0x100000, s0;
	[bflag:$0x2] =	sbarrier.arrive $0xFFFF  }
0x28: {  	[sflag:s0] =	ssyncadd.tile.s32 @!p0 $0x1;
	_ =	shalt  }
.Lfunc_end2:
_tile_overlayer_lowered:
.L_overlay_start_2:
0x29: {  	(tag) =	ssettag $0x2  }
0x2a: {  	s0 =	rddreg [dreg:$0x0];
	s2 =	stileid.u32  }
0x2b: {  	s1 =	rddreg [dreg:$0x1];
	p0 =	sne.s32 s2, $0x0  }
0x2c: {  	s3 =	rddreg [dreg:$0x2];
	[bflag:$0x3] =	sbarrier.arrive $0xFFFF;
	s2 =	simm.s32 @!p0 $0x1C02  }
0x2d: {  	[timem:s3], [sflag:s2] =	dma.local @!p0 [hbm:s0], s1  }
0x2e: {  	s0 =	simm.s32 @!p0 $0x2  }
0x2f: {  	_ =	swait.ge @!p0 [sflag:s0], s1  }
0x30: {  	s1 =	ssub.s32 @!p0 $0x0, s1;
	[sflag:s0] =	ssyncset.done @!p0 $0x0  }
0x31: {  	[sflag:s0] =	ssyncadd.s32 @!p0 s1  }
0x32: {  	[bflag:$0x3] =	sbarrier.arrive $0xFFFF  }
0x33: {  	_ =	shalt  }

// kernel: sparse-core-data-format-call.cloned.1.call-start
scs
called_computation_lowered:
.L_overlay_start_0:
0x0: {  	s1 =	sld [smem:$0x3FD9]  }
0x1: {  	s2 =	sld [smem:$0x3FFE];
	_ =	sdelay $0x1  }
0x2: {  	s3 =	srdreg.scid  }
0x3: {  	s0 =	sand.u32 $0x1, s3  }
0x4: {  	s17 =	sshll.u32 s0, $0xA;
	s1 =	sadd.s32 s2, s1  }
0x5: {  	s1 =	sadd.s32 s1, s17  }
0x6: {  	[smem:$0x3FC1] =	sst s1  }
0x7: {  	_ = 	snop  }
0x8: {  	(tm) =	ssettm $0x1  }
0x9: {  	s18 =	sld [smem:$0x3FFB];
	_ =	sdelay $0x3  }
0xa: {  	_ =	strace s18  }
0xb: {  	s1 =	sld [smem:$0x3FFC];
	_ =	sdelay $0x3  }
0xc: {  	_ =	strace s1  }
0xd: {  	s1 =	sld [smem:$0x3FFD];
	_ =	sdelay $0x3  }
0xe: {  	_ =	strace s1  }
0xf: {  	_ =	strace $0x8FFFFFFF  }
0x10: {  	s19 =	sld [smem:$0x3FDB];
	_ =	sdelay $0x1  }
0x11: {  	s20 =	simm.s32 $_scs_section_size  }
0x12: {  	s4 =	simm.s32 $_size__tile_overlayer_lowered;
	s5 =	simm.s32 $_tile_overlayer_lowered  }
0x13: {  	s23 =	simm.s32 $0x1BFF;
	s22 =	sshll.u32 s5, $0x1;
	s1 =	sadd.s32 s20, s19  }
0x14: {  	s6 =	simm.s32 $0x0;
	s21 =	sshll.u32 s4, $0x1;
	s4 =	sadd.s32 s22, s1  }
0x15: {  	[timem:s6], [sflag:s23] =	dma.local [hbm:s4], s21  }
0x16: {  	_ =	swait.ge [sflag:s23], s21  }
0x17: {  	s2 =	ssub.s32 $0x0, s21;
	[sflag:s23] =	ssyncset.done $0x0  }
0x18: {  	[sflag:s23] =	ssyncadd.s32 s2;
	_ =	sdelay $0x1  }
0x19: {  	s24 =	simm.s32 $0x1B8B  }
0x1a: {  	_ =	swait.ge [sflag:s24], $0x1  }
0x1b: {  	[sflag:s24] =	ssyncset.done $0x0  }
0x1c: {  	s26 =	simm.s32 $0x1B8E;
	s25 =	sld [smem:$0x3FFE];
	[sflag:s24] =	ssyncadd.s32 $0xFFFFFFFF  }
0x1d: {  	s27 =	simm.s32 $execute0_lowered;
	[smem:$0x3FD2] =	sst s26  }
0x1e: {  	s4 =	sshll.u32 s27, $0x1;
	_ =	strace $0x80000049;
	[dreg:$0x1] =	wrdreg $0xFFFFFFFF  }
0x1f: {  	s28 =	simm.s32 $_size_execute0_lowered;
	s1 =	sadd.s32 s1, s4;
	[dreg:$0x0] =	wrdreg $0x0  }
0x20: {  	s4 =	sshll.u32 s28, $0x1;
	[dreg:$0x2] =	wrdreg s1  }
0x21: {  	[dreg:$0x3] =	wrdreg s4  }
0x22: {  	[dreg:$0x4] =	wrdreg $0xC0  }
0x23: {  	_ =	task [dreg:s6], $0x5FFFF  }
0x24: {  	[dreg:$0x1] =	wrdreg $0xFFFFFFFF  }
0x25: {  	[dreg:$0x0] =	wrdreg $0x60  }
0x26: {  	[dreg:$0x2] =	wrdreg s25  }
0x27: {  	[dreg:$0x3] =	wrdreg $0x9  }
0x28: {  	_ =	task.clear_ibuf [dreg:s6], $0x4FFFF;
	_ =	strace $0x90000049  }
0x29: {  	s29 =	simm.s32 $0x9;
	_ =	strace $0x8000004B  }
0x2a: {  	_ =	swait.ge [sflag:s29], $0x1  }
0x2b: {  	[sflag:s29] =	ssyncadd.s32 $0xFFFFFFFF  }
0x2c: {  	_ =	strace $0x9000004B  }
0x2d: {  	_ =	sfence  }
0x2e: {  	s30 =	sld [smem:$0x0];
	_ =	sdelay $0x2  }
0x2f: {  	s31 =	sshll.u32 s3, $0xD;
	s3 =	sshrl.u32 s3, $0x2  }
0x30: {  	s2 =	sand.u32 $0x4000, s31;
	s1 =	sadd.s32 s3, s30  }
0x31: {  	s0 =	sor.u32 s2, s0;
	s1 =	sshll.u32 s1, $0x11  }
0x32: {  	s0 =	sor.u32 s1, s0  }
0x33: {  	s0 =	sadd.s32 $0x8F2B, s0  }
0x34: {  	[sflag:s0] =	ssyncadd.remote.s32 $0x1  }
0x35: {  	_ =	sfence.sel $0xFFFF  }
0x36: {  	[dreg:$0x0] =	wrdreg $0xFFFFFFFF;
	(pc) =	sbr.abs _section_cstart, $3  }
0x37: {  	[dreg:$0x1] =	wrdreg $0xFFFFFFFF  }
0x38: {  	_ =	task.clear_ibuf [dreg:s6], $0x2FFFF;
	_ =	strace $0x9FFFFFFF  }
0x39: {  	(tm) =	ssettm $0x7FFFFFFF  }
tec
execute0_lowered:
.L_overlay_start_1:
0x0: {  	(tag) =	ssettag $0x1  }
0x1: {  	s0 =	stileid.u32;
	s1 =	srdreg.scid  }
0x2: {  	s7 =	rddreg [dreg:$0x0];
	s9 =	simm.s32 $0x2;
	s17 =	simm.s32 $0x0  }
0x3: {  	p0 =	por $0x0, $0x0;
	s10 =	simm.s32 $0x800;
	s15 =	simm.s32 $0x0  }
0x4: {  	s16 =	simm.s32 $0x0;
	s2 =	sshll.u32 s0, $0x4;
	s1 =	sshll.u32 s1, $0x7  }
0x5: {  	s14 =	simm.s32 $0x0;
	s2 =	sand.u32 $0x80, s2;
	s3 =	sand.u32 $0x80, s1  }
0x6: {  	s1 =	rddreg [dreg:$0x1];
	_ =	strace $0x8000004A;
	s4 =	ssub.s32 $0x100, s2  }
0x7: {  	s5 =	ssub.s32 $0x4000, s3;
	s11 =	smov.u32 s3;
	s6 =	sshrl.u32 s4, $0x8  }
0x8: {  	s4 =	sshrl.u32 s4, $0x7;
	s8 =	sshrl.u32 s5, $0x7;
	s5 =	sshrl.u32 s5, $0x8  }
.Ltmp0:
0x9: {  	s4 =	sand.u32 $0x1, s4;
	s8 =	sand.u32 $0x1, s8;
	(pc) =	sbr.rel .LBB1_1-.Ltmp0, $4  }
0xa: {  	s12 =	smov.u32 s2;
	s6 =	sadd.s32 s6, s4;
	s8 =	sadd.s32 s5, s8  }
0xb: {  	s4 =	sadd.s32 $0x14000, s7;
	s5 =	simm.s32 $0x1;
	s6 =	smul.u32 s6, s8  }
0xc: {  	s7 =	sadd.s32 $0x414000, s7;
	[sflag:s5] =	ssyncpa.u1 $0x0;
	s8 =	sand.u32 $0x7, s0  }
0xd: {  	[sflag:s9] =	ssyncpa.u1 $0x0;
	s13 =	smov.u32 s8;
	s9 =	sadd.s32 $0x1, s6  }
.LBB1_4:
0xe: {  	v5 =	vld [tilespmem:s21+$0xFFFFFFD0]  }
0xf: {  	[tilespmem:s19+$0x2040 ss:$0x81] =	vst.msk $0xffff, v1;
	v58 =	vld [tilespmem:s21+$0xFFFFFFE0]  }
0x10: {  	[tilespmem:s19+$0x2850 ss:$0x81] =	vst.msk $0xffff, v2;
	v59 =	vld [tilespmem:s21+$0xFFFFFFF0]  }
0x11: {  	s22 =	sshra.s32 s22, $0x2;
	[tilespmem:s19+$0x3060 ss:$0x81] =	vst.msk $0xffff, v3;
	v60 =	vld [tilespmem:s21+$0x0]  }
0x12: {  	v61 =	vld [tilespmem:s21+$0x10];
	[tilespmem:s19+$0x0 ss:$0x81] =	vst.msk $0xffff, v0;
	s20 =	sadd.s32 s22, s20  }
0x13: {  	s25 =	sshll.u32 s17, $0x8;
	v62 =	vld [tilespmem:s21+$0x20];
	[tilespmem:s20+$0x3870 ss:$0x81] =	vst.msk $0xffff, v4  }
0x14: {  	s23 =	sshll.u32 s15, $0x3;
	v63 =	vld [tilespmem:s21+$0xFFFFFFC0];
	s30 =	sand.u32 $0x78, s15;
	s16 =	sshll.u32 s16, $0x13;
	[tilespmem:s20+$0x810 ss:$0x81] =	vst.msk $0xffff, v5  }
0x15: {  	s28 =	sshll.u32 s17, $0x7;
	s26 =	sand.u32 $0x3FF800, s25;
	s27 =	sand.u32 $0x3FFC00, s23;
	[tilespmem:s20+$0x1020 ss:$0x81] =	vst.msk $0xffff, v58  }
0x16: {  	s29 =	sand.u32 $0x300, s28;
	s17 =	sand.u32 $0x80, s28;
	s19 =	sadd.s32 s27, s26;
	[tilespmem:s20+$0x1830 ss:$0x81] =	vst.msk $0xffff, v59  }
0x17: {  	s31 =	sand.u32 $0x7, s15;
	s17 =	sor.u32 s30, s17;
	s19 =	sor.u32 s29, s19;
	[tilespmem:s20+$0x2040 ss:$0x81] =	vst.msk $0xffff, v60  }
0x18: {  	s16 =	sadd.s32 s7, s16;
	s17 =	sshrl.u32 s17, $0x3;
	s19 =	sshrl.u32 s19, $0x3;
	[tilespmem:s20+$0x2850 ss:$0x81] =	vst.msk $0xffff, v61  }
0x19: {  	s15 =	sshll.u32 s31, $0x12;
	s16 =	sadd.s32 s17, s16;
	[tilespmem:s20+$0x3060 ss:$0x81] =	vst.msk $0xffff, v62;
	s19 =	sand.u32 $0x7FFE0, s19  }
0x1a: {  	s15 =	sor.u32 $0x400, s15;
	[tilespmem:s20+$0x0 ss:$0x81] =	vst.msk $0xffff, v63;
	s16 =	sadd.s32 s19, s16  }
0x1b: {  	[hbm4b:s16+s15] =	stream.strided.scatter [tilespmem:s18], [sflag:$0x2], $0x4000, s10, s15, $0x20;
	[tilespmem:$0x10100] =	vst v63  }
.LBB1_5:
0x1c: {  	s18 =	sadd.s32 $0x100, s11  }
0x1d: {  	s15 =	sadd.s32 $0x100, s12;
	s19 =	smov.u32 s12;
	p2 =	sgt.s32 s18, $0x3FFF  }
0x1e: {  	s19 =	smov.u32 @p2 s15  }
0x1f: {  	s21 =	smov.u32 s13;
	s15 =	sadd.s32 $0x8, s13;
	p3 =	sgt.s32 s19, $0xFF  }
0x20: {  	s21 =	smov.u32 @p3 s15  }
0x21: {  	s18 =	smov.u32 @p2 s3;
	p2 =	sgt.s32 s21, $0x7  }
0x22: {  	p1 =	slt.u32 s14, $0x2;
	s21 =	smov.u32 @p2 s8;
	p2 =	sne.s32 s14, s9  }
.Ltmp1:
0x23: {  	s20 =	simm.s32 @!p1 $0x2;
	(pc) =	sbr.rel @!p2 .LBB1_6-.Ltmp1, $4  }
0x24: {  	s17 =	smov.u32 s11;
	s16 =	smov.u32 s13;
	_ =	swait.ge @!p1 [sflag:s20], $0x4000  }
0x25: {  	p0 =	por !p0, !p0;
	[sflag:s20] =	ssyncset.done @!p1 $0x0;
	s11 =	smov.u32 s18  }
0x26: {  	s19 =	smov.u32 @p3 s2;
	s15 =	smov.u32 s12;
	[sflag:s20] =	ssyncadd.s32 @!p1 $0xFFFFC000  }
0x27: {  	s12 =	smov.u32 s19;
	s14 =	sadd.s32 $0x1, s14;
	s13 =	smov.u32 s21  }
.LBB1_1:
0x28: {  	p1 =	sge.u32 s14, s6;
	s31 =	sadd.s32 $0xFFFFFFFF, s14  }
0x29: {  	s18 =	sxor.u32 @!p1 $0xFFFFFFFF, s14;
	s19 =	sand.u32 @!p1 $0x78, s11;
	s20 =	sshll.u32 @!p1 s12, $0xE  }
0x2a: {  	s21 =	sshll.u32 @!p1 s12, $0x7;
	s22 =	sshll.u32 @!p1 s11, $0x3;
	s18 =	sshll.u32 @!p1 s18, $0xE  }
0x2b: {  	s20 =	sand.u32 @!p1 $0x3E0000, s20;
	s21 =	sand.u32 @!p1 $0x380, s21;
	s18 =	sand.u32 @!p1 $0x4000, s18  }
0x2c: {  	s20 =	sadd.s32 @!p1 s20, s22;
	s22 =	sand.u32 @!p1 $0x3C00, s22;
	s19 =	sor.u32 @!p1 s21, s19  }
0x2d: {  	s21 =	sshll.u32 @!p1 s13, $0x13;
	s19 =	sor.u32 @!p1 s22, s19;
	s20 =	sshrl.u32 @!p1 s20, $0x3  }
0x2e: {  	s21 =	sadd.s32 @!p1 s4, s21;
	s22 =	sand.u32 @!p1 $0x7, s11;
	s20 =	sand.u32 @!p1 $0x7F800, s20  }
0x2f: {  	s19 =	sshrl.u32 @!p1 s19, $0x3;
	s20 =	sadd.s32 @!p1 s20, s21;
	s21 =	sshll.u32 @!p1 s22, $0x12  }
0x30: {  	s19 =	sadd.s32 @!p1 s19, s20;
	s20 =	sor.u32 @!p1 $0x400, s21;
	s21 =	simm.s32 @!p1 $0x20000  }
0x31: {  	[tilespmem:s18], [sflag:$0x1] =	stream.strided.gather @!p1 [hbm4b:s19+s20], $0x4000, s21, s20, $0x38;
	[tilespmem:$0x10100] =	vst v63  }
0x32: {  	p1 =	sge.u32 s31, s6  }
.Ltmp2:
0x33: {  	_ = 	snop;
	(pc) =	sbr.rel @p1 .LBB1_5-.Ltmp2, $1  }
0x34: {  	_ =	sdelay $0x3  }
0x35: {  	s18 =	simm.s32 $0x1  }
0x36: {  	_ =	swait.ge [sflag:s5], $0x4000;
	s18 =	simm.s32 @!p0 $0x0  }
0x37: {  	[sflag:s5] =	ssyncset.done $0x0;
	s19 =	sshll.u32 s18, $0xE  }
0x38: {  	[sflag:s5] =	ssyncadd.s32 $0xFFFFC000;
	s21 =	sor.u32 $0x40, s19  }
0x39: {  	s18 =	smul.u32 $0x10200, s18;
	v0 =	vld [tilespmem:s21+$0x30]  }
0x3a: {  	v3 =	vld [tilespmem:s21+$0xFFFFFFD0]  }
0x3b: {  	s18 =	sshrl.u32 s18, $0x2;
	v4 =	vld [tilespmem:s21+$0xFFFFFFE0]  }
0x3c: {  	v5 =	vld [tilespmem:s21+$0xFFFFFFF0];
	s20 =	sor.u32 $0x8000, s18  }
0x3d: {  	s31 =	sand.u32 $0x1, s14;
	v1 =	vld [tilespmem:s21+$0x0];
	s19 =	sadd.s32 $0x0, s20  }
0x3e: {  	v2 =	vld [tilespmem:s21+$0x10];
	s18 =	smul.u32 $0x10200, s31;
	[tilespmem:s19+$0x3870 ss:$0x81] =	vst.msk $0xffff, v0  }
0x3f: {  	[tilespmem:s19+$0x810 ss:$0x81] =	vst.msk $0xffff, v3;
	v3 =	vld [tilespmem:s21+$0x20]  }
0x40: {  	s18 =	sshrl.u32 s18, $0x2;
	v0 =	vld [tilespmem:s21+$0xFFFFFFC0];
	[tilespmem:s19+$0x1020 ss:$0x81] =	vst.msk $0xffff, v4;
	s21 =	sadd.s32 $0x80, s21  }
0x41: {  	s22 =	simm.s32 $0x4;
	s23 =	simm.s32 $0x8;
	s18 =	sor.u32 $0x8000, s18;
	[tilespmem:s19+$0x1830 ss:$0x81] =	vst.msk $0xffff, v5;
	v4 =	vld [tilespmem:s21+$0x30]  }
.LBB1_3:
0x42: {  	p1 =	sne.s32 s23, $0x1FC;
	v5 =	vld [tilespmem:s21+$0xFFFFFFD0];
	[tilespmem:s19+$0x2040 ss:$0x81] =	vst.msk $0xffff, v1  }
0x43: {  	v6 =	vld [tilespmem:s21+$0xFFFFFFE0];
	[tilespmem:s19+$0x2850 ss:$0x81] =	vst.msk $0xffff, v2  }
0x44: {  	s24 =	sshra.s32 s22, $0x2;
	s22 =	smov.u32 s23;
	v7 =	vld [tilespmem:s21+$0xFFFFFFF0];
	[tilespmem:s19+$0x3060 ss:$0x81] =	vst.msk $0xffff, v3  }
.Ltmp3:
0x45: {  	v1 =	vld [tilespmem:s21+$0x0];
	[tilespmem:s19+$0x0 ss:$0x81] =	vst.msk $0xffff, v0;
	s19 =	sadd.s32 s24, s20;
	(pc) =	sbr.rel @p1 .LBB1_3-.Ltmp3, $4  }
0x46: {  	v2 =	vld [tilespmem:s21+$0x10];
	[tilespmem:s19+$0x3870 ss:$0x81] =	vst.msk $0xffff, v4  }
0x47: {  	[tilespmem:s19+$0x810 ss:$0x81] =	vst.msk $0xffff, v5;
	v3 =	vld [tilespmem:s21+$0x20]  }
0x48: {  	v0 =	vld [tilespmem:s21+$0xFFFFFFC0];
	[tilespmem:s19+$0x1020 ss:$0x81] =	vst.msk $0xffff, v6;
	s21 =	sadd.s32 $0x80, s21  }
0x49: {  	s23 =	sadd.s32 $0x4, s23;
	v4 =	vld [tilespmem:s21+$0x30];
	[tilespmem:s19+$0x1830 ss:$0x81] =	vst.msk $0xffff, v7  }
.Ltmp4:
0x4a: {  	_ = 	snop;
	(pc) =	sbr.rel .LBB1_4-.Ltmp4, $1  }
0x4b: {  	_ =	sdelay $0x3  }
.LBB1_6:
0x4c: {  	_ =	sfence.sel $0x180000  }
0x4d: {  	s2 =	simm.s32 $0x1;
	[bflag:$0x0] =	sbarrier.arrive $0xFFFF  }
0x4e: {  	s31 =	simm.s32 $0x2;
	[sflag:s2] =	ssyncpa.u1 $0x1  }
0x4f: {  	[sflag:s31] =	ssyncpa.u1 $0x1  }
0x50: {  	p0 =	sne.s32 s0, $0x0;
	_ =	strace $0x9000004A  }
0x51: {  	s0 =	sadd.s32 @!p0 $0x100000, s1;
	[bflag:$0x2] =	sbarrier.arrive $0xFFFF  }
0x52: {  	[sflag:s0] =	ssyncadd.tile.s32 @!p0 $0x1;
	_ =	shalt  }
.Lfunc_end1:
_tile_overlayer_lowered:
.L_overlay_start_2:
0x53: {  	(tag) =	ssettag $0x2  }
0x54: {  	s0 =	rddreg [dreg:$0x0];
	s2 =	stileid.u32  }
0x55: {  	s1 =	rddreg [dreg:$0x1];
	p0 =	sne.s32 s2, $0x0  }
0x56: {  	s3 =	rddreg [dreg:$0x2];
	[bflag:$0x3] =	sbarrier.arrive $0xFFFF;
	s2 =	simm.s32 @!p0 $0x1C01  }
0x57: {  	[timem:s3], [sflag:s2] =	dma.local @!p0 [hbm:s0], s1  }
0x58: {  	s0 =	simm.s32 @!p0 $0x1  }
0x59: {  	_ =	swait.ge @!p0 [sflag:s0], s1  }
0x5a: {  	s1 =	ssub.s32 @!p0 $0x0, s1;
	[sflag:s0] =	ssyncset.done @!p0 $0x0  }
0x5b: {  	[sflag:s0] =	ssyncadd.s32 @!p0 s1  }
0x5c: {  	[bflag:$0x3] =	sbarrier.arrive $0xFFFF  }
0x5d: {  	_ =	shalt  }

</sc_bundles>
